<compile_context>
chip_gen: v7x
topology: tpu7x:2x2x1
jax: 0.10.2.dev20260603
libtpu: 0.0.44.dev20260713+nightly
codegen_flags: <defaults>
</compile_context>

<pallas_src>
import functools

import jax
import jax.numpy as jnp
from jax import lax
from jax.experimental import pallas as pl
from jax.experimental.pallas import tpu as pltpu
from jax.experimental.pallas import tpu_sc as plsc

H = 128
_NC = 2
_NS = 16
_NW = _NC * _NS



def _uv_body(x_ref, W1_ref, b1_ref, u_ref, v_ref):
    x = x_ref[...]
    u_ref[...] = (jnp.dot(x, W1_ref[0:H, :], preferred_element_type=jnp.float32)
                  + b1_ref[...])
    v_ref[...] = jnp.dot(x, W1_ref[H:2 * H, :],
                         preferred_element_type=jnp.float32)


def _edge_mlp_body(ge_ref, ea_ref, W1c_ref, W2_ref, b2_ref,
                   W3_ref, b3_ref, g_ref, beta_ref, enew_ref, eout_ref):
    ea = ea_ref[...]
    z = (ge_ref[...]
         + jnp.dot(ea, W1c_ref[...], preferred_element_type=jnp.float32))
    z = jnp.maximum(z, 0.0)
    z = jnp.maximum(jnp.dot(z, W2_ref[...], preferred_element_type=jnp.float32)
                    + b2_ref[...], 0.0)
    z = jnp.dot(z, W3_ref[...], preferred_element_type=jnp.float32) + b3_ref[...]
    mu = jnp.mean(z, axis=-1, keepdims=True)
    zc = z - mu
    var = jnp.mean(zc * zc, axis=-1, keepdims=True)
    e_new = g_ref[...] * zc * jax.lax.rsqrt(var + 1e-5) + beta_ref[...]
    enew_ref[...] = e_new
    eout_ref[...] = ea + e_new


def _node_mlp_body(x_ref, agg0_ref, agg1_ref, W1_ref, b1_ref, W2_ref, b2_ref,
                   W3_ref, b3_ref, g_ref, beta_ref, xout_ref):
    x = x_ref[...]
    agg = agg0_ref[...] + agg1_ref[...]
    W1 = W1_ref[...]
    z = (jnp.dot(x, W1[0:H, :], preferred_element_type=jnp.float32)
         + jnp.dot(agg, W1[H:2 * H, :], preferred_element_type=jnp.float32)
         + b1_ref[...])
    z = jnp.maximum(z, 0.0)
    z = jnp.maximum(jnp.dot(z, W2_ref[...], preferred_element_type=jnp.float32)
                    + b2_ref[...], 0.0)
    z = jnp.dot(z, W3_ref[...], preferred_element_type=jnp.float32) + b3_ref[...]
    mu = jnp.mean(z, axis=-1, keepdims=True)
    zc = z - mu
    var = jnp.mean(zc * zc, axis=-1, keepdims=True)
    x_new = g_ref[...] * zc * jax.lax.rsqrt(var + 1e-5) + beta_ref[...]
    xout_ref[...] = x + x_new


def _row_spec(block_rows, cols):
    return pl.BlockSpec((block_rows, cols), lambda i: (i, 0))


def _const_spec(shape):
    return pl.BlockSpec(shape, lambda i: tuple(0 for _ in shape))


def _uv_precompute(x, W1, b1, block_rows=2000):
    Nn = x.shape[0]
    return pl.pallas_call(
        _uv_body, grid=(Nn // block_rows,),
        in_specs=[_row_spec(block_rows, H), _const_spec((3 * H, H)),
                  _const_spec((1, H))],
        out_specs=[_row_spec(block_rows, H), _row_spec(block_rows, H)],
        out_shape=[jax.ShapeDtypeStruct((Nn, H), jnp.float32),
                   jax.ShapeDtypeStruct((Nn, H), jnp.float32)],
    )(x, W1, b1.reshape(1, H))


def _edge_mlp(ge, ea, W1c, b1, W2, b2, W3, b3, g, beta, block_rows=2560):
    E = ge.shape[0]
    in_specs = [
        _row_spec(block_rows, H), _row_spec(block_rows, H),
        _const_spec((H, H)),
        _const_spec((H, H)), _const_spec((1, H)),
        _const_spec((H, H)), _const_spec((1, H)),
        _const_spec((1, H)), _const_spec((1, H)),
    ]
    out_specs = [_row_spec(block_rows, H), _row_spec(block_rows, H)]
    out_shape = [jax.ShapeDtypeStruct((E, H), jnp.float32),
                 jax.ShapeDtypeStruct((E, H), jnp.float32)]
    return pl.pallas_call(
        _edge_mlp_body, grid=(E // block_rows,), in_specs=in_specs,
        out_specs=out_specs, out_shape=out_shape,
    )(ge, ea, W1c, W2, b2.reshape(1, H),
      W3, b3.reshape(1, H), g.reshape(1, H), beta.reshape(1, H))


def _node_mlp(x, agg2, W1, b1, W2, b2, W3, b3, g, beta, block_rows=2000):
    Nn = x.shape[0]
    nblk = Nn // block_rows
    in_specs = [
        _row_spec(block_rows, H),
        pl.BlockSpec((block_rows, H), lambda i: (i, 0)),
        pl.BlockSpec((block_rows, H), lambda i: (i + nblk, 0)),
        _const_spec((2 * H, H)), _const_spec((1, H)),
        _const_spec((H, H)), _const_spec((1, H)),
        _const_spec((H, H)), _const_spec((1, H)),
        _const_spec((1, H)), _const_spec((1, H)),
    ]
    return pl.pallas_call(
        _node_mlp_body, grid=(nblk,), in_specs=in_specs,
        out_specs=_row_spec(block_rows, H),
        out_shape=jax.ShapeDtypeStruct((Nn, H), jnp.float32),
    )(x, agg2, agg2, W1, b1.reshape(1, H), W2, b2.reshape(1, H),
      W3, b3.reshape(1, H), g.reshape(1, H), beta.reshape(1, H))



def _sc_gather(u, v, src, dst, chunk=200):
    E = src.shape[0]
    rows_per_w = E // _NW
    n_chunks = rows_per_w // chunk
    mesh = plsc.VectorSubcoreMesh(core_axis_name="c", subcore_axis_name="s")

    @functools.partial(
        pl.kernel,
        out_type=jax.ShapeDtypeStruct((E, H), jnp.float32),
        mesh=mesh,
        scratch_types=[
            pltpu.VMEM((rows_per_w,), jnp.int32),
            pltpu.VMEM((rows_per_w,), jnp.int32),
            pltpu.VMEM((chunk, H), jnp.float32),
            pltpu.VMEM((chunk, H), jnp.float32),
            pltpu.VMEM((chunk, H), jnp.float32),
            pltpu.VMEM((chunk, H), jnp.float32),
            pltpu.SemaphoreType.DMA,
            pltpu.SemaphoreType.DMA,
            pltpu.SemaphoreType.DMA,
            pltpu.SemaphoreType.DMA,
        ],
    )
    def k(u_hbm, v_hbm, src_hbm, dst_hbm, out_hbm,
          isrc, idst, ru0, ru1, rv0, rv1, sg0, sg1, so0, so1):
        wid = lax.axis_index("s") * _NC + lax.axis_index("c")
        base0 = wid * rows_per_w
        ru = (ru0, ru1)
        rv = (rv0, rv1)
        sg = (sg0, sg1)
        so = (so0, so1)

        pltpu.sync_copy(src_hbm.at[pl.ds(base0, rows_per_w)], isrc)
        pltpu.sync_copy(dst_hbm.at[pl.ds(base0, rows_per_w)], idst)

        def issue(i, b):
            pltpu.async_copy(u_hbm.at[isrc.at[pl.ds(i * chunk, chunk)]],
                             ru[b], sg[b])
            pltpu.async_copy(v_hbm.at[idst.at[pl.ds(i * chunk, chunk)]],
                             rv[b], sg[b])

        def wait_gather(b):
            pltpu.make_async_copy(u_hbm.at[isrc.at[pl.ds(0, chunk)]],
                                  ru[b], sg[b]).wait()
            pltpu.make_async_copy(v_hbm.at[idst.at[pl.ds(0, chunk)]],
                                  rv[b], sg[b]).wait()

        def wait_out(b):
            pltpu.make_async_copy(ru[b], out_hbm.at[pl.ds(base0, chunk)],
                                  so[b]).wait()

        issue(0, 0)

        def outer(io, carry):
            for b in range(2):
                i = 2 * io + b
                nb = 1 - b

                @pl.when(i + 1 < n_chunks)
                def _issue_next():
                    @pl.when(i >= 1)
                    def _drain():
                        wait_out(nb)

                    issue(i + 1, nb)

                wait_gather(b)

                def add_row(r, c2):
                    for kk in range(H // 16):
                        sl = pl.ds(kk * 16, 16)
                        ru[b][r, sl] = ru[b][r, sl] + rv[b][r, sl]
                    return c2

                lax.fori_loop(0, chunk, add_row, 0)
                pltpu.async_copy(ru[b],
                                 out_hbm.at[pl.ds(base0 + i * chunk, chunk)],
                                 so[b])
            return carry

        lax.fori_loop(0, n_chunks // 2, outer, 0)
        wait_out(0)
        wait_out(1)

    return k(u, v, src, dst)



def _sc_scatter(e_new, dst, zeros, n_nodes, chunk=80):
    E = e_new.shape[0]
    rows_per_w = E // _NW
    n_chunks = rows_per_w // chunk
    rows_per_tile = 640
    n_pad = _NS * rows_per_tile
    last_rows = n_nodes - (_NS - 1) * rows_per_tile
    mesh = plsc.VectorSubcoreMesh(core_axis_name="c", subcore_axis_name="s")

    @functools.partial(
        pl.kernel,
        out_type=jax.ShapeDtypeStruct((2 * n_nodes, H), jnp.float32),
        mesh=mesh,
        scratch_types=[
            pltpu.VMEM((chunk,), jnp.int32),
            pltpu.VMEM((chunk,), jnp.int32),
            pltpu.VMEM((chunk, H), jnp.float32),
            pltpu.VMEM((chunk, H), jnp.float32),
            pltpu.VMEM_SHARED((n_pad, H), jnp.float32),
            pltpu.SemaphoreType.DMA,
            pltpu.SemaphoreType.DMA,
            pltpu.SemaphoreType.DMA,
            pltpu.SemaphoreType.DMA,
        ],
    )
    def k(enew_hbm, dst_hbm, zeros_hbm, out_hbm, idx0, idx1, buf0, buf1, acc,
          sr0, sr1, ss0, ss1):
        cid = lax.axis_index("c")
        sid = lax.axis_index("s")
        wid = sid * _NC + cid
        base0 = wid * rows_per_w
        nbase = sid * rows_per_tile
        idx = (idx0, idx1)
        buf = (buf0, buf1)
        sr = (sr0, sr1)
        ss = (ss0, ss1)
        pltpu.sync_copy(zeros_hbm, acc.at[pl.ds(nbase, rows_per_tile)])
        plsc.subcore_barrier()

        def issue(i, b):
            base = base0 + i * chunk
            pltpu.sync_copy(dst_hbm.at[pl.ds(base, chunk)], idx[b])
            pltpu.async_copy(enew_hbm.at[pl.ds(base, chunk)], buf[b], sr[b])

        def wait_rows(b):
            pltpu.make_async_copy(enew_hbm.at[pl.ds(base0, chunk)], buf[b],
                                  sr[b]).wait()

        issue(0, 0)

        def outer(io, carry):
            for b in range(2):
                i = 2 * io + b

                @pl.when(i + 1 < n_chunks)
                def _issue_next():
                    issue(i + 1, 1 - b)

                wait_rows(b)
                pltpu.sync_copy(buf[b], acc.at[idx[b]], add=True)
            return carry

        lax.fori_loop(0, n_chunks // 2, outer, 0)
        if n_chunks % 2 == 1:
            wait_rows(0)
            pltpu.sync_copy(buf[0], acc.at[idx[0]], add=True)
        plsc.subcore_barrier()

        @pl.when(sid < _NS - 1)
        def _full():
            pltpu.sync_copy(acc.at[pl.ds(nbase, rows_per_tile)],
                            out_hbm.at[pl.ds(cid * n_nodes + nbase,
                                             rows_per_tile)])

        @pl.when(sid == _NS - 1)
        def _tail():
            pltpu.sync_copy(acc.at[pl.ds((_NS - 1) * rows_per_tile, last_rows)],
                            out_hbm.at[pl.ds(cid * n_nodes
                                             + (_NS - 1) * rows_per_tile,
                                             last_rows)])

    return k(e_new, dst, zeros)



def kernel(x, edge_attr, edge_index, eb_W1, eb_b1, eb_W2, eb_b2, eb_W3, eb_b3,
           eb_g, eb_beta, nb_W1, nb_b1, nb_W2, nb_b2, nb_W3, nb_b3, nb_g, nb_beta):
    src = edge_index[0]
    dst = edge_index[1]
    u, v = _uv_precompute(x, eb_W1, eb_b1)
    ge = _sc_gather(u, v, src, dst)
    e_new, e_out = _edge_mlp(ge, edge_attr, eb_W1[2 * H:3 * H], eb_b1,
                             eb_W2, eb_b2, eb_W3, eb_b3, eb_g, eb_beta)
    zeros = jnp.zeros((640, H), jnp.float32)
    agg2 = _sc_scatter(e_new, dst, zeros, x.shape[0])
    x_out = _node_mlp(x, agg2, nb_W1, nb_b1, nb_W2, nb_b2, nb_W3, nb_b3,
                      nb_g, nb_beta)
    return (x_out, e_out)

# --- scband reference (transcript-rebuilt; emitter-appended) ---
"""Pipeline reference for scband-gn-block-36532991820470 (READ-ONLY COPY).

The authoritative reference and input builder live on the scoring server;
editing this copy changes nothing except your own understanding.
"""

import jax, jax.numpy as jnp
import numpy as np

N = 10000
E = 320000
H = 128


def _mlp(z, W1, b1, W2, b2, W3, b3, g, beta):
    # 3-layer MLP with ReLU, followed by LayerNorm (MeshGraphNets-style build_mlp)
    z = jax.nn.relu(z @ W1 + b1)
    z = jax.nn.relu(z @ W2 + b2)
    z = z @ W3 + b3
    mu = jnp.mean(z, axis=-1, keepdims=True)
    var = jnp.var(z, axis=-1, keepdims=True)
    return g * (z - mu) / jnp.sqrt(var + 1e-5) + beta


def setup_inputs(seed: int = 0) -> dict:
    key = jax.random.key(seed)
    ks = jax.random.split(key, 16)
    inp = {}
    inp["x"] = jax.random.normal(ks[0], (N, H), dtype=jnp.float32)
    inp["edge_attr"] = jax.random.normal(ks[1], (E, H), dtype=jnp.float32)
    inp["edge_index"] = jax.random.randint(ks[2], (2, E), 0, N, dtype=jnp.int32)
    # edge block MLP: input dim 3H -> H -> H
    inp["eb_W1"] = jax.random.normal(ks[3], (3 * H, H), dtype=jnp.float32) / np.sqrt(3 * H)
    inp["eb_b1"] = jnp.zeros((H,), dtype=jnp.float32)
    inp["eb_W2"] = jax.random.normal(ks[4], (H, H), dtype=jnp.float32) / np.sqrt(H)
    inp["eb_b2"] = jnp.zeros((H,), dtype=jnp.float32)
    inp["eb_W3"] = jax.random.normal(ks[5], (H, H), dtype=jnp.float32) / np.sqrt(H)
    inp["eb_b3"] = jnp.zeros((H,), dtype=jnp.float32)
    inp["eb_g"] = jnp.ones((H,), dtype=jnp.float32)
    inp["eb_beta"] = jnp.zeros((H,), dtype=jnp.float32)
    # node block MLP: input dim 2H -> H -> H
    inp["nb_W1"] = jax.random.normal(ks[6], (2 * H, H), dtype=jnp.float32) / np.sqrt(2 * H)
    inp["nb_b1"] = jnp.zeros((H,), dtype=jnp.float32)
    inp["nb_W2"] = jax.random.normal(ks[7], (H, H), dtype=jnp.float32) / np.sqrt(H)
    inp["nb_b2"] = jnp.zeros((H,), dtype=jnp.float32)
    inp["nb_W3"] = jax.random.normal(ks[8], (H, H), dtype=jnp.float32) / np.sqrt(H)
    inp["nb_b3"] = jnp.zeros((H,), dtype=jnp.float32)
    inp["nb_g"] = jnp.ones((H,), dtype=jnp.float32)
    inp["nb_beta"] = jnp.zeros((H,), dtype=jnp.float32)
    return inp


def reference(x, edge_attr, edge_index,
              eb_W1, eb_b1, eb_W2, eb_b2, eb_W3, eb_b3, eb_g, eb_beta,
              nb_W1, nb_b1, nb_W2, nb_b2, nb_W3, nb_b3, nb_g, nb_beta):
    src = edge_index[0]
    dst = edge_index[1]
    # EdgeBlock: gather endpoint node features, concat with edge features, MLP
    collected = jnp.concatenate([x[src], x[dst], edge_attr], axis=-1)
    e_new = _mlp(collected, eb_W1, eb_b1, eb_W2, eb_b2, eb_W3, eb_b3, eb_g, eb_beta)
    # NodeBlock: scatter-add updated edge features to destination nodes, concat with x, MLP
    agg = jax.ops.segment_sum(e_new, dst, num_segments=N)
    n_in = jnp.concatenate([x, agg], axis=-1)
    x_new = _mlp(n_in, nb_W1, nb_b1, nb_W2, nb_b2, nb_W3, nb_b3, nb_g, nb_beta)
    # residual connections against graph_last
    x_out = x + x_new
    e_out = edge_attr + e_new
    return (x_out, e_out)

if __name__ == "__main__":
    import jax
    _d = setup_inputs()
    print(jax.jit(kernel)(*tuple(_d.values())))

</pallas_src>

<mosaic_0001>
#map = affine_map<(d0, d1) -> (0, 0)>
#map1 = affine_map<(d0, d1) -> (0)>
module attributes {stable_mosaic.version = 14 : i64} {
  func.func @k(%arg0: i32, %arg1: i32, %arg2: memref<320000x128xf32, #tpu.memory_space<hbm>>, %arg3: memref<320000xi32, #tpu.memory_space<hbm>>, %arg4: memref<640x128xf32, #tpu.memory_space<hbm>>, %arg5: memref<20000x128xf32, #tpu.memory_space<hbm>>, %arg6: memref<80xi32, #tpu.memory_space<vmem>>, %arg7: memref<80xi32, #tpu.memory_space<vmem>>, %arg8: memref<80x128xf32, #tpu.memory_space<vmem>>, %arg9: memref<80x128xf32, #tpu.memory_space<vmem>>, %arg10: memref<10240x128xf32, #tpu.memory_space<vmem_shared>>, %arg11: memref<!tpu.dma_semaphore, #tpu.memory_space<semaphore_mem>>, %arg12: memref<!tpu.dma_semaphore, #tpu.memory_space<semaphore_mem>>, %arg13: memref<!tpu.dma_semaphore, #tpu.memory_space<semaphore_mem>>, %arg14: memref<!tpu.dma_semaphore, #tpu.memory_space<semaphore_mem>>) attributes {dimension_semantics = [#tpu.dimension_semantics<core_parallel>, #tpu.dimension_semantics<subcore_parallel>], iteration_bounds = array<i64: 2, 16>, scalar_prefetch = 0 : i64, scratch_operands = 9 : i64, tpu.core_type = #tpu.core_type<sc_vector_subcore>, window_params = [{transform_indices = #map}, {transform_indices = #map1}, {transform_indices = #map}, {transform_indices = #map}]} {
    %mul3A = arith.constant 2 : i32
    %mul3A_0 = arith.muli %arg1, %mul3A : i32
    %add3A = arith.addi %mul3A_0, %arg0 : i32
    %mul3A_1 = arith.constant 10000 : i32
    %mul3A_2 = arith.muli %add3A, %mul3A_1 : i32
    %mul3A_3 = arith.constant 640 : i32
    %mul3A_4 = arith.muli %arg1, %mul3A_3 : i32
    "tpu.region"() ({
      %run_scoped3A = tpu.sem_alloc : memref<!tpu.dma_semaphore, #tpu.memory_space<semaphore_mem>>
      %dma_start3A_25 = arith.constant 0 : i32
      %dma_start3A_26 = tpu.memref_slice %arg10[%mul3A_4, %dma_start3A_25] : memref<10240x128xf32, #tpu.memory_space<vmem_shared>> -> memref<640x128xf32, #tpu.memory_space<vmem_shared>>
      tpu.enqueue_dma source(%arg4 : memref<640x128xf32, #tpu.memory_space<hbm>>) target(%dma_start3A_26 : memref<640x128xf32, #tpu.memory_space<vmem_shared>>) target_semaphore(%run_scoped3A : memref<!tpu.dma_semaphore, #tpu.memory_space<semaphore_mem>>)
      %dma_wait3A_27 = arith.constant 0 : i32
      %dma_wait3A_28 = tpu.memref_slice %arg10[%mul3A_4, %dma_wait3A_27] : memref<10240x128xf32, #tpu.memory_space<vmem_shared>> -> memref<640x128xf32, #tpu.memory_space<vmem_shared>>
      tpu.wait_dma2 semaphore(%run_scoped3A : memref<!tpu.dma_semaphore, #tpu.memory_space<semaphore_mem>>) src(%arg4 : memref<640x128xf32, #tpu.memory_space<hbm>>) dst(%dma_wait3A_28 : memref<640x128xf32, #tpu.memory_space<vmem_shared>>)
      tpu.yield
    }) : () -> ()
    %barrier3A = arith.constant 0 : index
    tpu.barrier barrier_id(%barrier3A)
    %add3A_5 = arith.constant 0 : i32
    %add3A_6 = arith.addi %mul3A_2, %add3A_5 : i32
    "tpu.region"() ({
      %run_scoped3A = tpu.sem_alloc : memref<!tpu.dma_semaphore, #tpu.memory_space<semaphore_mem>>
      %dma_start3A_25 = tpu.memref_slice %arg3[%add3A_6] : memref<320000xi32, #tpu.memory_space<hbm>> -> memref<80xi32, #tpu.memory_space<hbm>>
      %dma_start3A_26 = tpu.memref_slice %arg3[%add3A_6] : memref<320000xi32, #tpu.memory_space<hbm>> -> memref<80xi32, #tpu.memory_space<hbm>>
      tpu.enqueue_dma source(%dma_start3A_26 : memref<80xi32, #tpu.memory_space<hbm>>) target(%arg6 : memref<80xi32, #tpu.memory_space<vmem>>) target_semaphore(%run_scoped3A : memref<!tpu.dma_semaphore, #tpu.memory_space<semaphore_mem>>)
      %dma_wait3A_27 = tpu.memref_slice %arg3[%add3A_6] : memref<320000xi32, #tpu.memory_space<hbm>> -> memref<80xi32, #tpu.memory_space<hbm>>
      %dma_wait3A_28 = tpu.memref_slice %arg3[%add3A_6] : memref<320000xi32, #tpu.memory_space<hbm>> -> memref<80xi32, #tpu.memory_space<hbm>>
      tpu.wait_dma2 semaphore(%run_scoped3A : memref<!tpu.dma_semaphore, #tpu.memory_space<semaphore_mem>>) src(%dma_wait3A_28 : memref<80xi32, #tpu.memory_space<hbm>>) dst(%arg6 : memref<80xi32, #tpu.memory_space<vmem>>)
      tpu.yield
    }) : () -> ()
    %dma_start3A = arith.constant 0 : i32
    %dma_start3A_7 = tpu.memref_slice %arg2[%add3A_6, %dma_start3A] : memref<320000x128xf32, #tpu.memory_space<hbm>> -> memref<80x128xf32, #tpu.memory_space<hbm>>
    %dma_start3A_8 = arith.constant 0 : i32
    %dma_start3A_9 = tpu.memref_slice %arg2[%add3A_6, %dma_start3A_8] : memref<320000x128xf32, #tpu.memory_space<hbm>> -> memref<80x128xf32, #tpu.memory_space<hbm>>
    tpu.enqueue_dma source(%dma_start3A_9 : memref<80x128xf32, #tpu.memory_space<hbm>>) target(%arg8 : memref<80x128xf32, #tpu.memory_space<vmem>>) target_semaphore(%arg11 : memref<!tpu.dma_semaphore, #tpu.memory_space<semaphore_mem>>)
    %scan3A = arith.constant 0 : i32
    %scan3A_10 = arith.constant 0 : i32
    %scan3A_11 = arith.constant 62 : i32
    %scan3A_12 = arith.addi %scan3A_10, %scan3A_11 : i32
    %scan3A_13 = arith.constant 1 : i32
    scf.for %scan3A_25 = %scan3A_10 to %scan3A_12 step %scan3A_13  : i32 {
      %mul3A_26 = arith.constant 2 : i32
      %mul3A_27 = arith.muli %mul3A_26, %scan3A_25 : i32
      %add3A_28 = arith.constant 0 : i32
      %add3A_29 = arith.addi %mul3A_27, %add3A_28 : i32
      %add3A_30 = arith.constant 1 : i32
      %add3A_31 = arith.addi %add3A_29, %add3A_30 : i32
      %lt3A_32 = arith.constant 125 : i32
      %lt3A_33 = arith.cmpi slt, %add3A_31, %lt3A_32 : i32
      %convert_element_type3A_34 = arith.extui %lt3A_33 : i1 to i32
      %cond3A_35 = arith.constant 0 : i32
      %cond3A_36 = arith.cmpi ne, %convert_element_type3A_34, %cond3A_35 : i32
      scf.if %cond3A_36 {
        %add3A_56 = arith.constant 1 : i32
        %add3A_57 = arith.addi %add3A_29, %add3A_56 : i32
        %mul3A_58 = arith.constant 80 : i32
        %mul3A_59 = arith.muli %add3A_57, %mul3A_58 : i32
        %add3A_60 = arith.addi %mul3A_2, %mul3A_59 : i32
        "tpu.region"() ({
          %run_scoped3A = tpu.sem_alloc : memref<!tpu.dma_semaphore, #tpu.memory_space<semaphore_mem>>
          %dma_start3A_65 = tpu.memref_slice %arg3[%add3A_60] : memref<320000xi32, #tpu.memory_space<hbm>> -> memref<80xi32, #tpu.memory_space<hbm>>
          %dma_start3A_66 = tpu.memref_slice %arg3[%add3A_60] : memref<320000xi32, #tpu.memory_space<hbm>> -> memref<80xi32, #tpu.memory_space<hbm>>
          tpu.enqueue_dma source(%dma_start3A_66 : memref<80xi32, #tpu.memory_space<hbm>>) target(%arg7 : memref<80xi32, #tpu.memory_space<vmem>>) target_semaphore(%run_scoped3A : memref<!tpu.dma_semaphore, #tpu.memory_space<semaphore_mem>>)
          %dma_wait3A_67 = tpu.memref_slice %arg3[%add3A_60] : memref<320000xi32, #tpu.memory_space<hbm>> -> memref<80xi32, #tpu.memory_space<hbm>>
          %dma_wait3A_68 = tpu.memref_slice %arg3[%add3A_60] : memref<320000xi32, #tpu.memory_space<hbm>> -> memref<80xi32, #tpu.memory_space<hbm>>
          tpu.wait_dma2 semaphore(%run_scoped3A : memref<!tpu.dma_semaphore, #tpu.memory_space<semaphore_mem>>) src(%dma_wait3A_68 : memref<80xi32, #tpu.memory_space<hbm>>) dst(%arg7 : memref<80xi32, #tpu.memory_space<vmem>>)
          tpu.yield
        }) : () -> ()
        %dma_start3A_61 = arith.constant 0 : i32
        %dma_start3A_62 = tpu.memref_slice %arg2[%add3A_60, %dma_start3A_61] : memref<320000x128xf32, #tpu.memory_space<hbm>> -> memref<80x128xf32, #tpu.memory_space<hbm>>
        %dma_start3A_63 = arith.constant 0 : i32
        %dma_start3A_64 = tpu.memref_slice %arg2[%add3A_60, %dma_start3A_63] : memref<320000x128xf32, #tpu.memory_space<hbm>> -> memref<80x128xf32, #tpu.memory_space<hbm>>
        tpu.enqueue_dma source(%dma_start3A_64 : memref<80x128xf32, #tpu.memory_space<hbm>>) target(%arg9 : memref<80x128xf32, #tpu.memory_space<vmem>>) target_semaphore(%arg12 : memref<!tpu.dma_semaphore, #tpu.memory_space<semaphore_mem>>)
      } else {
      }
      %dma_wait3A_37 = arith.constant 0 : i32
      %dma_wait3A_38 = tpu.memref_slice %arg2[%mul3A_2, %dma_wait3A_37] : memref<320000x128xf32, #tpu.memory_space<hbm>> -> memref<80x128xf32, #tpu.memory_space<hbm>>
      %dma_wait3A_39 = arith.constant 0 : i32
      %dma_wait3A_40 = tpu.memref_slice %arg2[%mul3A_2, %dma_wait3A_39] : memref<320000x128xf32, #tpu.memory_space<hbm>> -> memref<80x128xf32, #tpu.memory_space<hbm>>
      tpu.wait_dma2 semaphore(%arg11 : memref<!tpu.dma_semaphore, #tpu.memory_space<semaphore_mem>>) src(%dma_wait3A_40 : memref<80x128xf32, #tpu.memory_space<hbm>>) dst(%arg8 : memref<80x128xf32, #tpu.memory_space<vmem>>)
      "tpu.region"() ({
        %run_scoped3A = tpu.sem_alloc : memref<!tpu.dma_semaphore, #tpu.memory_space<semaphore_mem>>
        %dma_start3A_56 = arith.constant 0 : i32
        %dma_start3A_57 = arith.constant 0 : i32
        %dma_start3A_58 = tpu.memref_slice %arg10[%dma_start3A_56, %dma_start3A_57] : memref<10240x128xf32, #tpu.memory_space<vmem_shared>> -> memref<10240x128xf32, #tpu.memory_space<vmem_shared>>
        tpu.enqueue_indirect_dma source(%arg8 : memref<80x128xf32, #tpu.memory_space<vmem>>) target(%dma_start3A_58 : memref<10240x128xf32, #tpu.memory_space<vmem_shared>>) offsets(%arg6 : memref<80xi32, #tpu.memory_space<vmem>>) semaphore(%run_scoped3A : memref<!tpu.dma_semaphore, #tpu.memory_space<semaphore_mem>>) {add = true}
        %dma_wait3A_59 = arith.constant 0 : i32
        %dma_wait3A_60 = arith.constant 0 : i32
        %dma_wait3A_61 = tpu.memref_slice %arg10[%dma_wait3A_59, %dma_wait3A_60] : memref<10240x128xf32, #tpu.memory_space<vmem_shared>> -> memref<10240x128xf32, #tpu.memory_space<vmem_shared>>
        tpu.wait_indirect_dma semaphore(%run_scoped3A : memref<!tpu.dma_semaphore, #tpu.memory_space<semaphore_mem>>) src(%arg8 : memref<80x128xf32, #tpu.memory_space<vmem>>) dst(%dma_wait3A_61 : memref<10240x128xf32, #tpu.memory_space<vmem_shared>>)
        tpu.yield
      }) : () -> ()
      %mul3A_41 = arith.constant 2 : i32
      %mul3A_42 = arith.muli %mul3A_41, %scan3A_25 : i32
      %add3A_43 = arith.constant 1 : i32
      %add3A_44 = arith.addi %mul3A_42, %add3A_43 : i32
      %add3A_45 = arith.constant 1 : i32
      %add3A_46 = arith.addi %add3A_44, %add3A_45 : i32
      %lt3A_47 = arith.constant 125 : i32
      %lt3A_48 = arith.cmpi slt, %add3A_46, %lt3A_47 : i32
      %convert_element_type3A_49 = arith.extui %lt3A_48 : i1 to i32
      %cond3A_50 = arith.constant 0 : i32
      %cond3A_51 = arith.cmpi ne, %convert_element_type3A_49, %cond3A_50 : i32
      scf.if %cond3A_51 {
        %add3A_56 = arith.constant 1 : i32
        %add3A_57 = arith.addi %add3A_44, %add3A_56 : i32
        %mul3A_58 = arith.constant 80 : i32
        %mul3A_59 = arith.muli %add3A_57, %mul3A_58 : i32
        %add3A_60 = arith.addi %mul3A_2, %mul3A_59 : i32
        "tpu.region"() ({
          %run_scoped3A = tpu.sem_alloc : memref<!tpu.dma_semaphore, #tpu.memory_space<semaphore_mem>>
          %dma_start3A_65 = tpu.memref_slice %arg3[%add3A_60] : memref<320000xi32, #tpu.memory_space<hbm>> -> memref<80xi32, #tpu.memory_space<hbm>>
          %dma_start3A_66 = tpu.memref_slice %arg3[%add3A_60] : memref<320000xi32, #tpu.memory_space<hbm>> -> memref<80xi32, #tpu.memory_space<hbm>>
          tpu.enqueue_dma source(%dma_start3A_66 : memref<80xi32, #tpu.memory_space<hbm>>) target(%arg6 : memref<80xi32, #tpu.memory_space<vmem>>) target_semaphore(%run_scoped3A : memref<!tpu.dma_semaphore, #tpu.memory_space<semaphore_mem>>)
          %dma_wait3A_67 = tpu.memref_slice %arg3[%add3A_60] : memref<320000xi32, #tpu.memory_space<hbm>> -> memref<80xi32, #tpu.memory_space<hbm>>
          %dma_wait3A_68 = tpu.memref_slice %arg3[%add3A_60] : memref<320000xi32, #tpu.memory_space<hbm>> -> memref<80xi32, #tpu.memory_space<hbm>>
          tpu.wait_dma2 semaphore(%run_scoped3A : memref<!tpu.dma_semaphore, #tpu.memory_space<semaphore_mem>>) src(%dma_wait3A_68 : memref<80xi32, #tpu.memory_space<hbm>>) dst(%arg6 : memref<80xi32, #tpu.memory_space<vmem>>)
          tpu.yield
        }) : () -> ()
        %dma_start3A_61 = arith.constant 0 : i32
        %dma_start3A_62 = tpu.memref_slice %arg2[%add3A_60, %dma_start3A_61] : memref<320000x128xf32, #tpu.memory_space<hbm>> -> memref<80x128xf32, #tpu.memory_space<hbm>>
        %dma_start3A_63 = arith.constant 0 : i32
        %dma_start3A_64 = tpu.memref_slice %arg2[%add3A_60, %dma_start3A_63] : memref<320000x128xf32, #tpu.memory_space<hbm>> -> memref<80x128xf32, #tpu.memory_space<hbm>>
        tpu.enqueue_dma source(%dma_start3A_64 : memref<80x128xf32, #tpu.memory_space<hbm>>) target(%arg8 : memref<80x128xf32, #tpu.memory_space<vmem>>) target_semaphore(%arg11 : memref<!tpu.dma_semaphore, #tpu.memory_space<semaphore_mem>>)
      } else {
      }
      %dma_wait3A_52 = arith.constant 0 : i32
      %dma_wait3A_53 = tpu.memref_slice %arg2[%mul3A_2, %dma_wait3A_52] : memref<320000x128xf32, #tpu.memory_space<hbm>> -> memref<80x128xf32, #tpu.memory_space<hbm>>
      %dma_wait3A_54 = arith.constant 0 : i32
      %dma_wait3A_55 = tpu.memref_slice %arg2[%mul3A_2, %dma_wait3A_54] : memref<320000x128xf32, #tpu.memory_space<hbm>> -> memref<80x128xf32, #tpu.memory_space<hbm>>
      tpu.wait_dma2 semaphore(%arg12 : memref<!tpu.dma_semaphore, #tpu.memory_space<semaphore_mem>>) src(%dma_wait3A_55 : memref<80x128xf32, #tpu.memory_space<hbm>>) dst(%arg9 : memref<80x128xf32, #tpu.memory_space<vmem>>)
      "tpu.region"() ({
        %run_scoped3A = tpu.sem_alloc : memref<!tpu.dma_semaphore, #tpu.memory_space<semaphore_mem>>
        %dma_start3A_56 = arith.constant 0 : i32
        %dma_start3A_57 = arith.constant 0 : i32
        %dma_start3A_58 = tpu.memref_slice %arg10[%dma_start3A_56, %dma_start3A_57] : memref<10240x128xf32, #tpu.memory_space<vmem_shared>> -> memref<10240x128xf32, #tpu.memory_space<vmem_shared>>
        tpu.enqueue_indirect_dma source(%arg9 : memref<80x128xf32, #tpu.memory_space<vmem>>) target(%dma_start3A_58 : memref<10240x128xf32, #tpu.memory_space<vmem_shared>>) offsets(%arg7 : memref<80xi32, #tpu.memory_space<vmem>>) semaphore(%run_scoped3A : memref<!tpu.dma_semaphore, #tpu.memory_space<semaphore_mem>>) {add = true}
        %dma_wait3A_59 = arith.constant 0 : i32
        %dma_wait3A_60 = arith.constant 0 : i32
        %dma_wait3A_61 = tpu.memref_slice %arg10[%dma_wait3A_59, %dma_wait3A_60] : memref<10240x128xf32, #tpu.memory_space<vmem_shared>> -> memref<10240x128xf32, #tpu.memory_space<vmem_shared>>
        tpu.wait_indirect_dma semaphore(%run_scoped3A : memref<!tpu.dma_semaphore, #tpu.memory_space<semaphore_mem>>) src(%arg9 : memref<80x128xf32, #tpu.memory_space<vmem>>) dst(%dma_wait3A_61 : memref<10240x128xf32, #tpu.memory_space<vmem_shared>>)
        tpu.yield
      }) : () -> ()
    }
    %scan3A_14 = arith.constant 62 : i32
    %dma_wait3A = arith.constant 0 : i32
    %dma_wait3A_15 = tpu.memref_slice %arg2[%mul3A_2, %dma_wait3A] : memref<320000x128xf32, #tpu.memory_space<hbm>> -> memref<80x128xf32, #tpu.memory_space<hbm>>
    %dma_wait3A_16 = arith.constant 0 : i32
    %dma_wait3A_17 = tpu.memref_slice %arg2[%mul3A_2, %dma_wait3A_16] : memref<320000x128xf32, #tpu.memory_space<hbm>> -> memref<80x128xf32, #tpu.memory_space<hbm>>
    tpu.wait_dma2 semaphore(%arg11 : memref<!tpu.dma_semaphore, #tpu.memory_space<semaphore_mem>>) src(%dma_wait3A_17 : memref<80x128xf32, #tpu.memory_space<hbm>>) dst(%arg8 : memref<80x128xf32, #tpu.memory_space<vmem>>)
    "tpu.region"() ({
      %run_scoped3A = tpu.sem_alloc : memref<!tpu.dma_semaphore, #tpu.memory_space<semaphore_mem>>
      %dma_start3A_25 = arith.constant 0 : i32
      %dma_start3A_26 = arith.constant 0 : i32
      %dma_start3A_27 = tpu.memref_slice %arg10[%dma_start3A_25, %dma_start3A_26] : memref<10240x128xf32, #tpu.memory_space<vmem_shared>> -> memref<10240x128xf32, #tpu.memory_space<vmem_shared>>
      tpu.enqueue_indirect_dma source(%arg8 : memref<80x128xf32, #tpu.memory_space<vmem>>) target(%dma_start3A_27 : memref<10240x128xf32, #tpu.memory_space<vmem_shared>>) offsets(%arg6 : memref<80xi32, #tpu.memory_space<vmem>>) semaphore(%run_scoped3A : memref<!tpu.dma_semaphore, #tpu.memory_space<semaphore_mem>>) {add = true}
      %dma_wait3A_28 = arith.constant 0 : i32
      %dma_wait3A_29 = arith.constant 0 : i32
      %dma_wait3A_30 = tpu.memref_slice %arg10[%dma_wait3A_28, %dma_wait3A_29] : memref<10240x128xf32, #tpu.memory_space<vmem_shared>> -> memref<10240x128xf32, #tpu.memory_space<vmem_shared>>
      tpu.wait_indirect_dma semaphore(%run_scoped3A : memref<!tpu.dma_semaphore, #tpu.memory_space<semaphore_mem>>) src(%arg8 : memref<80x128xf32, #tpu.memory_space<vmem>>) dst(%dma_wait3A_30 : memref<10240x128xf32, #tpu.memory_space<vmem_shared>>)
      tpu.yield
    }) : () -> ()
    %barrier3A_18 = arith.constant 0 : index
    tpu.barrier barrier_id(%barrier3A_18)
    %lt3A = arith.constant 15 : i32
    %lt3A_19 = arith.cmpi slt, %arg1, %lt3A : i32
    %convert_element_type3A = arith.extui %lt3A_19 : i1 to i32
    %cond3A = arith.constant 0 : i32
    %cond3A_20 = arith.cmpi ne, %convert_element_type3A, %cond3A : i32
    scf.if %cond3A_20 {
      %mul3A_25 = arith.constant 10000 : i32
      %mul3A_26 = arith.muli %arg0, %mul3A_25 : i32
      %add3A_27 = arith.addi %mul3A_26, %mul3A_4 : i32
      "tpu.region"() ({
        %run_scoped3A = tpu.sem_alloc : memref<!tpu.dma_semaphore, #tpu.memory_space<semaphore_mem>>
        %dma_start3A_28 = arith.constant 0 : i32
        %dma_start3A_29 = tpu.memref_slice %arg5[%add3A_27, %dma_start3A_28] : memref<20000x128xf32, #tpu.memory_space<hbm>> -> memref<640x128xf32, #tpu.memory_space<hbm>>
        %dma_start3A_30 = arith.constant 0 : i32
        %dma_start3A_31 = tpu.memref_slice %arg10[%mul3A_4, %dma_start3A_30] : memref<10240x128xf32, #tpu.memory_space<vmem_shared>> -> memref<640x128xf32, #tpu.memory_space<vmem_shared>>
        tpu.enqueue_dma source(%dma_start3A_31 : memref<640x128xf32, #tpu.memory_space<vmem_shared>>) target(%dma_start3A_29 : memref<640x128xf32, #tpu.memory_space<hbm>>) target_semaphore(%run_scoped3A : memref<!tpu.dma_semaphore, #tpu.memory_space<semaphore_mem>>)
        %dma_wait3A_32 = arith.constant 0 : i32
        %dma_wait3A_33 = tpu.memref_slice %arg5[%add3A_27, %dma_wait3A_32] : memref<20000x128xf32, #tpu.memory_space<hbm>> -> memref<640x128xf32, #tpu.memory_space<hbm>>
        %dma_wait3A_34 = arith.constant 0 : i32
        %dma_wait3A_35 = tpu.memref_slice %arg10[%mul3A_4, %dma_wait3A_34] : memref<10240x128xf32, #tpu.memory_space<vmem_shared>> -> memref<640x128xf32, #tpu.memory_space<vmem_shared>>
        tpu.wait_dma2 semaphore(%run_scoped3A : memref<!tpu.dma_semaphore, #tpu.memory_space<semaphore_mem>>) src(%dma_wait3A_35 : memref<640x128xf32, #tpu.memory_space<vmem_shared>>) dst(%dma_wait3A_33 : memref<640x128xf32, #tpu.memory_space<hbm>>)
        tpu.yield
      }) : () -> ()
    } else {
    }
    %eq3A = arith.constant 15 : i32
    %eq3A_21 = arith.cmpi eq, %arg1, %eq3A : i32
    %convert_element_type3A_22 = arith.extui %eq3A_21 : i1 to i32
    %cond3A_23 = arith.constant 0 : i32
    %cond3A_24 = arith.cmpi ne, %convert_element_type3A_22, %cond3A_23 : i32
    scf.if %cond3A_24 {
      %mul3A_25 = arith.constant 10000 : i32
      %mul3A_26 = arith.muli %arg0, %mul3A_25 : i32
      %add3A_27 = arith.constant 9600 : i32
      %add3A_28 = arith.addi %mul3A_26, %add3A_27 : i32
      "tpu.region"() ({
        %run_scoped3A = tpu.sem_alloc : memref<!tpu.dma_semaphore, #tpu.memory_space<semaphore_mem>>
        %dma_start3A_29 = arith.constant 0 : i32
        %dma_start3A_30 = tpu.memref_slice %arg5[%add3A_28, %dma_start3A_29] : memref<20000x128xf32, #tpu.memory_space<hbm>> -> memref<400x128xf32, #tpu.memory_space<hbm>>
        %dma_start3A_31 = arith.constant 9600 : i32
        %dma_start3A_32 = arith.constant 0 : i32
        %dma_start3A_33 = tpu.memref_slice %arg10[%dma_start3A_31, %dma_start3A_32] : memref<10240x128xf32, #tpu.memory_space<vmem_shared>> -> memref<400x128xf32, #tpu.memory_space<vmem_shared>>
        tpu.enqueue_dma source(%dma_start3A_33 : memref<400x128xf32, #tpu.memory_space<vmem_shared>>) target(%dma_start3A_30 : memref<400x128xf32, #tpu.memory_space<hbm>>) target_semaphore(%run_scoped3A : memref<!tpu.dma_semaphore, #tpu.memory_space<semaphore_mem>>)
        %dma_wait3A_34 = arith.constant 0 : i32
        %dma_wait3A_35 = tpu.memref_slice %arg5[%add3A_28, %dma_wait3A_34] : memref<20000x128xf32, #tpu.memory_space<hbm>> -> memref<400x128xf32, #tpu.memory_space<hbm>>
        %dma_wait3A_36 = arith.constant 9600 : i32
        %dma_wait3A_37 = arith.constant 0 : i32
        %dma_wait3A_38 = tpu.memref_slice %arg10[%dma_wait3A_36, %dma_wait3A_37] : memref<10240x128xf32, #tpu.memory_space<vmem_shared>> -> memref<400x128xf32, #tpu.memory_space<vmem_shared>>
        tpu.wait_dma2 semaphore(%run_scoped3A : memref<!tpu.dma_semaphore, #tpu.memory_space<semaphore_mem>>) src(%dma_wait3A_38 : memref<400x128xf32, #tpu.memory_space<vmem_shared>>) dst(%dma_wait3A_35 : memref<400x128xf32, #tpu.memory_space<hbm>>)
        tpu.yield
      }) : () -> ()
    } else {
    }
    return
  }
}

#map = affine_map<(d0, d1) -> (0, 0)>
#map1 = affine_map<(d0, d1) -> (0)>
module attributes {stable_mosaic.version = 14 : i64} {
  func.func @k(%arg0: i32, %arg1: i32, %arg2: memref<10000x128xf32, #tpu.memory_space<hbm>>, %arg3: memref<10000x128xf32, #tpu.memory_space<hbm>>, %arg4: memref<320000xi32, #tpu.memory_space<hbm>>, %arg5: memref<320000xi32, #tpu.memory_space<hbm>>, %arg6: memref<320000x128xf32, #tpu.memory_space<hbm>>, %arg7: memref<10000xi32, #tpu.memory_space<vmem>>, %arg8: memref<10000xi32, #tpu.memory_space<vmem>>, %arg9: memref<200x128xf32, #tpu.memory_space<vmem>>, %arg10: memref<200x128xf32, #tpu.memory_space<vmem>>, %arg11: memref<200x128xf32, #tpu.memory_space<vmem>>, %arg12: memref<200x128xf32, #tpu.memory_space<vmem>>, %arg13: memref<!tpu.dma_semaphore, #tpu.memory_space<semaphore_mem>>, %arg14: memref<!tpu.dma_semaphore, #tpu.memory_space<semaphore_mem>>, %arg15: memref<!tpu.dma_semaphore, #tpu.memory_space<semaphore_mem>>, %arg16: memref<!tpu.dma_semaphore, #tpu.memory_space<semaphore_mem>>) attributes {dimension_semantics = [#tpu.dimension_semantics<core_parallel>, #tpu.dimension_semantics<subcore_parallel>], iteration_bounds = array<i64: 2, 16>, scalar_prefetch = 0 : i64, scratch_operands = 10 : i64, tpu.core_type = #tpu.core_type<sc_vector_subcore>, window_params = [{transform_indices = #map}, {transform_indices = #map}, {transform_indices = #map1}, {transform_indices = #map1}, {transform_indices = #map}]} {
    %mul3A = arith.constant 2 : i32
    %mul3A_0 = arith.muli %arg1, %mul3A : i32
    %add3A = arith.addi %mul3A_0, %arg0 : i32
    %mul3A_1 = arith.constant 10000 : i32
    %mul3A_2 = arith.muli %add3A, %mul3A_1 : i32
    "tpu.region"() ({
      %run_scoped3A = tpu.sem_alloc : memref<!tpu.dma_semaphore, #tpu.memory_space<semaphore_mem>>
      %dma_start3A_24 = tpu.memref_slice %arg4[%mul3A_2] : memref<320000xi32, #tpu.memory_space<hbm>> -> memref<10000xi32, #tpu.memory_space<hbm>>
      %dma_start3A_25 = tpu.memref_slice %arg4[%mul3A_2] : memref<320000xi32, #tpu.memory_space<hbm>> -> memref<10000xi32, #tpu.memory_space<hbm>>
      tpu.enqueue_dma source(%dma_start3A_25 : memref<10000xi32, #tpu.memory_space<hbm>>) target(%arg7 : memref<10000xi32, #tpu.memory_space<vmem>>) target_semaphore(%run_scoped3A : memref<!tpu.dma_semaphore, #tpu.memory_space<semaphore_mem>>)
      %dma_wait3A_26 = tpu.memref_slice %arg4[%mul3A_2] : memref<320000xi32, #tpu.memory_space<hbm>> -> memref<10000xi32, #tpu.memory_space<hbm>>
      %dma_wait3A_27 = tpu.memref_slice %arg4[%mul3A_2] : memref<320000xi32, #tpu.memory_space<hbm>> -> memref<10000xi32, #tpu.memory_space<hbm>>
      tpu.wait_dma2 semaphore(%run_scoped3A : memref<!tpu.dma_semaphore, #tpu.memory_space<semaphore_mem>>) src(%dma_wait3A_27 : memref<10000xi32, #tpu.memory_space<hbm>>) dst(%arg7 : memref<10000xi32, #tpu.memory_space<vmem>>)
      tpu.yield
    }) : () -> ()
    "tpu.region"() ({
      %run_scoped3A = tpu.sem_alloc : memref<!tpu.dma_semaphore, #tpu.memory_space<semaphore_mem>>
      %dma_start3A_24 = tpu.memref_slice %arg5[%mul3A_2] : memref<320000xi32, #tpu.memory_space<hbm>> -> memref<10000xi32, #tpu.memory_space<hbm>>
      %dma_start3A_25 = tpu.memref_slice %arg5[%mul3A_2] : memref<320000xi32, #tpu.memory_space<hbm>> -> memref<10000xi32, #tpu.memory_space<hbm>>
      tpu.enqueue_dma source(%dma_start3A_25 : memref<10000xi32, #tpu.memory_space<hbm>>) target(%arg8 : memref<10000xi32, #tpu.memory_space<vmem>>) target_semaphore(%run_scoped3A : memref<!tpu.dma_semaphore, #tpu.memory_space<semaphore_mem>>)
      %dma_wait3A_26 = tpu.memref_slice %arg5[%mul3A_2] : memref<320000xi32, #tpu.memory_space<hbm>> -> memref<10000xi32, #tpu.memory_space<hbm>>
      %dma_wait3A_27 = tpu.memref_slice %arg5[%mul3A_2] : memref<320000xi32, #tpu.memory_space<hbm>> -> memref<10000xi32, #tpu.memory_space<hbm>>
      tpu.wait_dma2 semaphore(%run_scoped3A : memref<!tpu.dma_semaphore, #tpu.memory_space<semaphore_mem>>) src(%dma_wait3A_27 : memref<10000xi32, #tpu.memory_space<hbm>>) dst(%arg8 : memref<10000xi32, #tpu.memory_space<vmem>>)
      tpu.yield
    }) : () -> ()
    %dma_start3A = arith.constant 0 : i32
    %dma_start3A_3 = tpu.memref_slice %arg7[%dma_start3A] : memref<10000xi32, #tpu.memory_space<vmem>> -> memref<200xi32, #tpu.memory_space<vmem>>
    %dma_start3A_4 = arith.constant 0 : i32
    %dma_start3A_5 = arith.constant 0 : i32
    %dma_start3A_6 = tpu.memref_slice %arg2[%dma_start3A_4, %dma_start3A_5] : memref<10000x128xf32, #tpu.memory_space<hbm>> -> memref<10000x128xf32, #tpu.memory_space<hbm>>
    tpu.enqueue_indirect_dma source(%dma_start3A_6 : memref<10000x128xf32, #tpu.memory_space<hbm>>) target(%arg9 : memref<200x128xf32, #tpu.memory_space<vmem>>) offsets(%dma_start3A_3 : memref<200xi32, #tpu.memory_space<vmem>>) semaphore(%arg13 : memref<!tpu.dma_semaphore, #tpu.memory_space<semaphore_mem>>)
    %dma_start3A_7 = arith.constant 0 : i32
    %dma_start3A_8 = tpu.memref_slice %arg8[%dma_start3A_7] : memref<10000xi32, #tpu.memory_space<vmem>> -> memref<200xi32, #tpu.memory_space<vmem>>
    %dma_start3A_9 = arith.constant 0 : i32
    %dma_start3A_10 = arith.constant 0 : i32
    %dma_start3A_11 = tpu.memref_slice %arg3[%dma_start3A_9, %dma_start3A_10] : memref<10000x128xf32, #tpu.memory_space<hbm>> -> memref<10000x128xf32, #tpu.memory_space<hbm>>
    tpu.enqueue_indirect_dma source(%dma_start3A_11 : memref<10000x128xf32, #tpu.memory_space<hbm>>) target(%arg11 : memref<200x128xf32, #tpu.memory_space<vmem>>) offsets(%dma_start3A_8 : memref<200xi32, #tpu.memory_space<vmem>>) semaphore(%arg13 : memref<!tpu.dma_semaphore, #tpu.memory_space<semaphore_mem>>)
    %scan3A = arith.constant 0 : i32
    %scan3A_12 = arith.constant 0 : i32
    %scan3A_13 = arith.constant 25 : i32
    %scan3A_14 = arith.addi %scan3A_12, %scan3A_13 : i32
    %scan3A_15 = arith.constant 1 : i32
    scf.for %scan3A_24 = %scan3A_12 to %scan3A_14 step %scan3A_15  : i32 {
      %mul3A_25 = arith.constant 2 : i32
      %mul3A_26 = arith.muli %mul3A_25, %scan3A_24 : i32
      %add3A_27 = arith.constant 0 : i32
      %add3A_28 = arith.addi %mul3A_26, %add3A_27 : i32
      %add3A_29 = arith.constant 1 : i32
      %add3A_30 = arith.addi %add3A_28, %add3A_29 : i32
      %lt3A = arith.constant 50 : i32
      %lt3A_31 = arith.cmpi slt, %add3A_30, %lt3A : i32
      %convert_element_type3A = arith.extui %lt3A_31 : i1 to i32
      %cond3A = arith.constant 0 : i32
      %cond3A_32 = arith.cmpi ne, %convert_element_type3A, %cond3A : i32
      scf.if %cond3A_32 {
        %ge3A = arith.constant 1 : i32
        %ge3A_90 = arith.cmpi sge, %add3A_28, %ge3A : i32
        %convert_element_type3A_91 = arith.extui %ge3A_90 : i1 to i32
        %cond3A_92 = arith.constant 0 : i32
        %cond3A_93 = arith.cmpi ne, %convert_element_type3A_91, %cond3A_92 : i32
        scf.if %cond3A_93 {
          %dma_wait3A_108 = arith.constant 0 : i32
          %dma_wait3A_109 = tpu.memref_slice %arg6[%mul3A_2, %dma_wait3A_108] : memref<320000x128xf32, #tpu.memory_space<hbm>> -> memref<200x128xf32, #tpu.memory_space<hbm>>
          %dma_wait3A_110 = arith.constant 0 : i32
          %dma_wait3A_111 = tpu.memref_slice %arg6[%mul3A_2, %dma_wait3A_110] : memref<320000x128xf32, #tpu.memory_space<hbm>> -> memref<200x128xf32, #tpu.memory_space<hbm>>
          tpu.wait_dma2 semaphore(%arg16 : memref<!tpu.dma_semaphore, #tpu.memory_space<semaphore_mem>>) src(%arg10 : memref<200x128xf32, #tpu.memory_space<vmem>>) dst(%dma_wait3A_111 : memref<200x128xf32, #tpu.memory_space<hbm>>)
        } else {
        }
        %add3A_94 = arith.constant 1 : i32
        %add3A_95 = arith.addi %add3A_28, %add3A_94 : i32
        %mul3A_96 = arith.constant 200 : i32
        %mul3A_97 = arith.muli %add3A_95, %mul3A_96 : i32
        %dma_start3A_98 = tpu.memref_slice %arg7[%mul3A_97] : memref<10000xi32, #tpu.memory_space<vmem>> -> memref<200xi32, #tpu.memory_space<vmem>>
        %dma_start3A_99 = arith.constant 0 : i32
        %dma_start3A_100 = arith.constant 0 : i32
        %dma_start3A_101 = tpu.memref_slice %arg2[%dma_start3A_99, %dma_start3A_100] : memref<10000x128xf32, #tpu.memory_space<hbm>> -> memref<10000x128xf32, #tpu.memory_space<hbm>>
        tpu.enqueue_indirect_dma source(%dma_start3A_101 : memref<10000x128xf32, #tpu.memory_space<hbm>>) target(%arg10 : memref<200x128xf32, #tpu.memory_space<vmem>>) offsets(%dma_start3A_98 : memref<200xi32, #tpu.memory_space<vmem>>) semaphore(%arg14 : memref<!tpu.dma_semaphore, #tpu.memory_space<semaphore_mem>>)
        %mul3A_102 = arith.constant 200 : i32
        %mul3A_103 = arith.muli %add3A_95, %mul3A_102 : i32
        %dma_start3A_104 = tpu.memref_slice %arg8[%mul3A_103] : memref<10000xi32, #tpu.memory_space<vmem>> -> memref<200xi32, #tpu.memory_space<vmem>>
        %dma_start3A_105 = arith.constant 0 : i32
        %dma_start3A_106 = arith.constant 0 : i32
        %dma_start3A_107 = tpu.memref_slice %arg3[%dma_start3A_105, %dma_start3A_106] : memref<10000x128xf32, #tpu.memory_space<hbm>> -> memref<10000x128xf32, #tpu.memory_space<hbm>>
        tpu.enqueue_indirect_dma source(%dma_start3A_107 : memref<10000x128xf32, #tpu.memory_space<hbm>>) target(%arg12 : memref<200x128xf32, #tpu.memory_space<vmem>>) offsets(%dma_start3A_104 : memref<200xi32, #tpu.memory_space<vmem>>) semaphore(%arg14 : memref<!tpu.dma_semaphore, #tpu.memory_space<semaphore_mem>>)
      } else {
      }
      %dma_wait3A_33 = arith.constant 0 : i32
      %dma_wait3A_34 = tpu.memref_slice %arg7[%dma_wait3A_33] : memref<10000xi32, #tpu.memory_space<vmem>> -> memref<200xi32, #tpu.memory_space<vmem>>
      %dma_wait3A_35 = arith.constant 0 : i32
      %dma_wait3A_36 = arith.constant 0 : i32
      %dma_wait3A_37 = tpu.memref_slice %arg2[%dma_wait3A_35, %dma_wait3A_36] : memref<10000x128xf32, #tpu.memory_space<hbm>> -> memref<10000x128xf32, #tpu.memory_space<hbm>>
      tpu.wait_indirect_dma semaphore(%arg13 : memref<!tpu.dma_semaphore, #tpu.memory_space<semaphore_mem>>) src(%dma_wait3A_37 : memref<10000x128xf32, #tpu.memory_space<hbm>>) dst(%arg9 : memref<200x128xf32, #tpu.memory_space<vmem>>)
      %dma_wait3A_38 = arith.constant 0 : i32
      %dma_wait3A_39 = tpu.memref_slice %arg8[%dma_wait3A_38] : memref<10000xi32, #tpu.memory_space<vmem>> -> memref<200xi32, #tpu.memory_space<vmem>>
      %dma_wait3A_40 = arith.constant 0 : i32
      %dma_wait3A_41 = arith.constant 0 : i32
      %dma_wait3A_42 = tpu.memref_slice %arg3[%dma_wait3A_40, %dma_wait3A_41] : memref<10000x128xf32, #tpu.memory_space<hbm>> -> memref<10000x128xf32, #tpu.memory_space<hbm>>
      tpu.wait_indirect_dma semaphore(%arg13 : memref<!tpu.dma_semaphore, #tpu.memory_space<semaphore_mem>>) src(%dma_wait3A_42 : memref<10000x128xf32, #tpu.memory_space<hbm>>) dst(%arg11 : memref<200x128xf32, #tpu.memory_space<vmem>>)
      %scan3A_43 = arith.constant 0 : i32
      %scan3A_44 = arith.constant 0 : i32
      %scan3A_45 = arith.constant 200 : i32
      %scan3A_46 = arith.addi %scan3A_44, %scan3A_45 : i32
      %scan3A_47 = arith.constant 1 : i32
      scf.for %scan3A_90 = %scan3A_44 to %scan3A_46 step %scan3A_47  : i32 {
        %get3A = arith.index_cast %scan3A_90 : i32 to index
        %get3A_91 = arith.constant 0 : index
        %get3A_92 = tpu.vector_load %arg9[%get3A, %get3A_91] {strides = array<i32>} : memref<200x128xf32, #tpu.memory_space<vmem>>, vector<1x16xf32>,
        %get3A_93 = vector.shape_cast %get3A_92 : vector<1x16xf32> to vector<16xf32>
        %get3A_94 = arith.index_cast %scan3A_90 : i32 to index
        %get3A_95 = arith.constant 0 : index
        %get3A_96 = tpu.vector_load %arg11[%get3A_94, %get3A_95] {strides = array<i32>} : memref<200x128xf32, #tpu.memory_space<vmem>>, vector<1x16xf32>,
        %get3A_97 = vector.shape_cast %get3A_96 : vector<1x16xf32> to vector<16xf32>
        %add3A_98 = arith.addf %get3A_93, %get3A_97 : vector<16xf32>
        %swap3A = arith.index_cast %scan3A_90 : i32 to index
        %swap3A_99 = arith.constant 0 : index
        %swap3A_100 = tpu.vector_load %arg9[%swap3A, %swap3A_99] {strides = array<i32>} : memref<200x128xf32, #tpu.memory_space<vmem>>, vector<1x16xf32>,
        %swap3A_101 = vector.shape_cast %swap3A_100 : vector<1x16xf32> to vector<16xf32>
        %swap3A_102 = vector.shape_cast %add3A_98 : vector<16xf32> to vector<1x16xf32>
        tpu.vector_store %arg9[%swap3A, %swap3A_99], %swap3A_102 {strides = array<i32>} : memref<200x128xf32, #tpu.memory_space<vmem>>, vector<1x16xf32>,
        %get3A_103 = arith.index_cast %scan3A_90 : i32 to index
        %get3A_104 = arith.constant 16 : index
        %get3A_105 = tpu.vector_load %arg9[%get3A_103, %get3A_104] {strides = array<i32>} : memref<200x128xf32, #tpu.memory_space<vmem>>, vector<1x16xf32>,
        %get3A_106 = vector.shape_cast %get3A_105 : vector<1x16xf32> to vector<16xf32>
        %get3A_107 = arith.index_cast %scan3A_90 : i32 to index
        %get3A_108 = arith.constant 16 : index
        %get3A_109 = tpu.vector_load %arg11[%get3A_107, %get3A_108] {strides = array<i32>} : memref<200x128xf32, #tpu.memory_space<vmem>>, vector<1x16xf32>,
        %get3A_110 = vector.shape_cast %get3A_109 : vector<1x16xf32> to vector<16xf32>
        %add3A_111 = arith.addf %get3A_106, %get3A_110 : vector<16xf32>
        %swap3A_112 = arith.index_cast %scan3A_90 : i32 to index
        %swap3A_113 = arith.constant 16 : index
        %swap3A_114 = tpu.vector_load %arg9[%swap3A_112, %swap3A_113] {strides = array<i32>} : memref<200x128xf32, #tpu.memory_space<vmem>>, vector<1x16xf32>,
        %swap3A_115 = vector.shape_cast %swap3A_114 : vector<1x16xf32> to vector<16xf32>
        %swap3A_116 = vector.shape_cast %add3A_111 : vector<16xf32> to vector<1x16xf32>
        tpu.vector_store %arg9[%swap3A_112, %swap3A_113], %swap3A_116 {strides = array<i32>} : memref<200x128xf32, #tpu.memory_space<vmem>>, vector<1x16xf32>,
        %get3A_117 = arith.index_cast %scan3A_90 : i32 to index
        %get3A_118 = arith.constant 32 : index
        %get3A_119 = tpu.vector_load %arg9[%get3A_117, %get3A_118] {strides = array<i32>} : memref<200x128xf32, #tpu.memory_space<vmem>>, vector<1x16xf32>,
        %get3A_120 = vector.shape_cast %get3A_119 : vector<1x16xf32> to vector<16xf32>
        %get3A_121 = arith.index_cast %scan3A_90 : i32 to index
        %get3A_122 = arith.constant 32 : index
        %get3A_123 = tpu.vector_load %arg11[%get3A_121, %get3A_122] {strides = array<i32>} : memref<200x128xf32, #tpu.memory_space<vmem>>, vector<1x16xf32>,
        %get3A_124 = vector.shape_cast %get3A_123 : vector<1x16xf32> to vector<16xf32>
        %add3A_125 = arith.addf %get3A_120, %get3A_124 : vector<16xf32>
        %swap3A_126 = arith.index_cast %scan3A_90 : i32 to index
        %swap3A_127 = arith.constant 32 : index
        %swap3A_128 = tpu.vector_load %arg9[%swap3A_126, %swap3A_127] {strides = array<i32>} : memref<200x128xf32, #tpu.memory_space<vmem>>, vector<1x16xf32>,
        %swap3A_129 = vector.shape_cast %swap3A_128 : vector<1x16xf32> to vector<16xf32>
        %swap3A_130 = vector.shape_cast %add3A_125 : vector<16xf32> to vector<1x16xf32>
        tpu.vector_store %arg9[%swap3A_126, %swap3A_127], %swap3A_130 {strides = array<i32>} : memref<200x128xf32, #tpu.memory_space<vmem>>, vector<1x16xf32>,
        %get3A_131 = arith.index_cast %scan3A_90 : i32 to index
        %get3A_132 = arith.constant 48 : index
        %get3A_133 = tpu.vector_load %arg9[%get3A_131, %get3A_132] {strides = array<i32>} : memref<200x128xf32, #tpu.memory_space<vmem>>, vector<1x16xf32>,
        %get3A_134 = vector.shape_cast %get3A_133 : vector<1x16xf32> to vector<16xf32>
        %get3A_135 = arith.index_cast %scan3A_90 : i32 to index
        %get3A_136 = arith.constant 48 : index
        %get3A_137 = tpu.vector_load %arg11[%get3A_135, %get3A_136] {strides = array<i32>} : memref<200x128xf32, #tpu.memory_space<vmem>>, vector<1x16xf32>,
        %get3A_138 = vector.shape_cast %get3A_137 : vector<1x16xf32> to vector<16xf32>
        %add3A_139 = arith.addf %get3A_134, %get3A_138 : vector<16xf32>
        %swap3A_140 = arith.index_cast %scan3A_90 : i32 to index
        %swap3A_141 = arith.constant 48 : index
        %swap3A_142 = tpu.vector_load %arg9[%swap3A_140, %swap3A_141] {strides = array<i32>} : memref<200x128xf32, #tpu.memory_space<vmem>>, vector<1x16xf32>,
        %swap3A_143 = vector.shape_cast %swap3A_142 : vector<1x16xf32> to vector<16xf32>
        %swap3A_144 = vector.shape_cast %add3A_139 : vector<16xf32> to vector<1x16xf32>
        tpu.vector_store %arg9[%swap3A_140, %swap3A_141], %swap3A_144 {strides = array<i32>} : memref<200x128xf32, #tpu.memory_space<vmem>>, vector<1x16xf32>,
        %get3A_145 = arith.index_cast %scan3A_90 : i32 to index
        %get3A_146 = arith.constant 64 : index
        %get3A_147 = tpu.vector_load %arg9[%get3A_145, %get3A_146] {strides = array<i32>} : memref<200x128xf32, #tpu.memory_space<vmem>>, vector<1x16xf32>,
        %get3A_148 = vector.shape_cast %get3A_147 : vector<1x16xf32> to vector<16xf32>
        %get3A_149 = arith.index_cast %scan3A_90 : i32 to index
        %get3A_150 = arith.constant 64 : index
        %get3A_151 = tpu.vector_load %arg11[%get3A_149, %get3A_150] {strides = array<i32>} : memref<200x128xf32, #tpu.memory_space<vmem>>, vector<1x16xf32>,
        %get3A_152 = vector.shape_cast %get3A_151 : vector<1x16xf32> to vector<16xf32>
        %add3A_153 = arith.addf %get3A_148, %get3A_152 : vector<16xf32>
        %swap3A_154 = arith.index_cast %scan3A_90 : i32 to index
        %swap3A_155 = arith.constant 64 : index
        %swap3A_156 = tpu.vector_load %arg9[%swap3A_154, %swap3A_155] {strides = array<i32>} : memref<200x128xf32, #tpu.memory_space<vmem>>, vector<1x16xf32>,
        %swap3A_157 = vector.shape_cast %swap3A_156 : vector<1x16xf32> to vector<16xf32>
        %swap3A_158 = vector.shape_cast %add3A_153 : vector<16xf32> to vector<1x16xf32>
        tpu.vector_store %arg9[%swap3A_154, %swap3A_155], %swap3A_158 {strides = array<i32>} : memref<200x128xf32, #tpu.memory_space<vmem>>, vector<1x16xf32>,
        %get3A_159 = arith.index_cast %scan3A_90 : i32 to index
        %get3A_160 = arith.constant 80 : index
        %get3A_161 = tpu.vector_load %arg9[%get3A_159, %get3A_160] {strides = array<i32>} : memref<200x128xf32, #tpu.memory_space<vmem>>, vector<1x16xf32>,
        %get3A_162 = vector.shape_cast %get3A_161 : vector<1x16xf32> to vector<16xf32>
        %get3A_163 = arith.index_cast %scan3A_90 : i32 to index
        %get3A_164 = arith.constant 80 : index
        %get3A_165 = tpu.vector_load %arg11[%get3A_163, %get3A_164] {strides = array<i32>} : memref<200x128xf32, #tpu.memory_space<vmem>>, vector<1x16xf32>,
        %get3A_166 = vector.shape_cast %get3A_165 : vector<1x16xf32> to vector<16xf32>
        %add3A_167 = arith.addf %get3A_162, %get3A_166 : vector<16xf32>
        %swap3A_168 = arith.index_cast %scan3A_90 : i32 to index
        %swap3A_169 = arith.constant 80 : index
        %swap3A_170 = tpu.vector_load %arg9[%swap3A_168, %swap3A_169] {strides = array<i32>} : memref<200x128xf32, #tpu.memory_space<vmem>>, vector<1x16xf32>,
        %swap3A_171 = vector.shape_cast %swap3A_170 : vector<1x16xf32> to vector<16xf32>
        %swap3A_172 = vector.shape_cast %add3A_167 : vector<16xf32> to vector<1x16xf32>
        tpu.vector_store %arg9[%swap3A_168, %swap3A_169], %swap3A_172 {strides = array<i32>} : memref<200x128xf32, #tpu.memory_space<vmem>>, vector<1x16xf32>,
        %get3A_173 = arith.index_cast %scan3A_90 : i32 to index
        %get3A_174 = arith.constant 96 : index
        %get3A_175 = tpu.vector_load %arg9[%get3A_173, %get3A_174] {strides = array<i32>} : memref<200x128xf32, #tpu.memory_space<vmem>>, vector<1x16xf32>,
        %get3A_176 = vector.shape_cast %get3A_175 : vector<1x16xf32> to vector<16xf32>
        %get3A_177 = arith.index_cast %scan3A_90 : i32 to index
        %get3A_178 = arith.constant 96 : index
        %get3A_179 = tpu.vector_load %arg11[%get3A_177, %get3A_178] {strides = array<i32>} : memref<200x128xf32, #tpu.memory_space<vmem>>, vector<1x16xf32>,
        %get3A_180 = vector.shape_cast %get3A_179 : vector<1x16xf32> to vector<16xf32>
        %add3A_181 = arith.addf %get3A_176, %get3A_180 : vector<16xf32>
        %swap3A_182 = arith.index_cast %scan3A_90 : i32 to index
        %swap3A_183 = arith.constant 96 : index
        %swap3A_184 = tpu.vector_load %arg9[%swap3A_182, %swap3A_183] {strides = array<i32>} : memref<200x128xf32, #tpu.memory_space<vmem>>, vector<1x16xf32>,
        %swap3A_185 = vector.shape_cast %swap3A_184 : vector<1x16xf32> to vector<16xf32>
        %swap3A_186 = vector.shape_cast %add3A_181 : vector<16xf32> to vector<1x16xf32>
        tpu.vector_store %arg9[%swap3A_182, %swap3A_183], %swap3A_186 {strides = array<i32>} : memref<200x128xf32, #tpu.memory_space<vmem>>, vector<1x16xf32>,
        %get3A_187 = arith.index_cast %scan3A_90 : i32 to index
        %get3A_188 = arith.constant 112 : index
        %get3A_189 = tpu.vector_load %arg9[%get3A_187, %get3A_188] {strides = array<i32>} : memref<200x128xf32, #tpu.memory_space<vmem>>, vector<1x16xf32>,
        %get3A_190 = vector.shape_cast %get3A_189 : vector<1x16xf32> to vector<16xf32>
        %get3A_191 = arith.index_cast %scan3A_90 : i32 to index
        %get3A_192 = arith.constant 112 : index
        %get3A_193 = tpu.vector_load %arg11[%get3A_191, %get3A_192] {strides = array<i32>} : memref<200x128xf32, #tpu.memory_space<vmem>>, vector<1x16xf32>,
        %get3A_194 = vector.shape_cast %get3A_193 : vector<1x16xf32> to vector<16xf32>
        %add3A_195 = arith.addf %get3A_190, %get3A_194 : vector<16xf32>
        %swap3A_196 = arith.index_cast %scan3A_90 : i32 to index
        %swap3A_197 = arith.constant 112 : index
        %swap3A_198 = tpu.vector_load %arg9[%swap3A_196, %swap3A_197] {strides = array<i32>} : memref<200x128xf32, #tpu.memory_space<vmem>>, vector<1x16xf32>,
        %swap3A_199 = vector.shape_cast %swap3A_198 : vector<1x16xf32> to vector<16xf32>
        %swap3A_200 = vector.shape_cast %add3A_195 : vector<16xf32> to vector<1x16xf32>
        tpu.vector_store %arg9[%swap3A_196, %swap3A_197], %swap3A_200 {strides = array<i32>} : memref<200x128xf32, #tpu.memory_space<vmem>>, vector<1x16xf32>,
      }
      %scan3A_48 = arith.constant 200 : i32
      %mul3A_49 = arith.constant 200 : i32
      %mul3A_50 = arith.muli %add3A_28, %mul3A_49 : i32
      %add3A_51 = arith.addi %mul3A_2, %mul3A_50 : i32
      %dma_start3A_52 = arith.constant 0 : i32
      %dma_start3A_53 = tpu.memref_slice %arg6[%add3A_51, %dma_start3A_52] : memref<320000x128xf32, #tpu.memory_space<hbm>> -> memref<200x128xf32, #tpu.memory_space<hbm>>
      %dma_start3A_54 = arith.constant 0 : i32
      %dma_start3A_55 = tpu.memref_slice %arg6[%add3A_51, %dma_start3A_54] : memref<320000x128xf32, #tpu.memory_space<hbm>> -> memref<200x128xf32, #tpu.memory_space<hbm>>
      tpu.enqueue_dma source(%arg9 : memref<200x128xf32, #tpu.memory_space<vmem>>) target(%dma_start3A_55 : memref<200x128xf32, #tpu.memory_space<hbm>>) target_semaphore(%arg15 : memref<!tpu.dma_semaphore, #tpu.memory_space<semaphore_mem>>)
      %mul3A_56 = arith.constant 2 : i32
      %mul3A_57 = arith.muli %mul3A_56, %scan3A_24 : i32
      %add3A_58 = arith.constant 1 : i32
      %add3A_59 = arith.addi %mul3A_57, %add3A_58 : i32
      %add3A_60 = arith.constant 1 : i32
      %add3A_61 = arith.addi %add3A_59, %add3A_60 : i32
      %lt3A_62 = arith.constant 50 : i32
      %lt3A_63 = arith.cmpi slt, %add3A_61, %lt3A_62 : i32
      %convert_element_type3A_64 = arith.extui %lt3A_63 : i1 to i32
      %cond3A_65 = arith.constant 0 : i32
      %cond3A_66 = arith.cmpi ne, %convert_element_type3A_64, %cond3A_65 : i32
      scf.if %cond3A_66 {
        %ge3A = arith.constant 1 : i32
        %ge3A_90 = arith.cmpi sge, %add3A_59, %ge3A : i32
        %convert_element_type3A_91 = arith.extui %ge3A_90 : i1 to i32
        %cond3A_92 = arith.constant 0 : i32
        %cond3A_93 = arith.cmpi ne, %convert_element_type3A_91, %cond3A_92 : i32
        scf.if %cond3A_93 {
          %dma_wait3A_108 = arith.constant 0 : i32
          %dma_wait3A_109 = tpu.memref_slice %arg6[%mul3A_2, %dma_wait3A_108] : memref<320000x128xf32, #tpu.memory_space<hbm>> -> memref<200x128xf32, #tpu.memory_space<hbm>>
          %dma_wait3A_110 = arith.constant 0 : i32
          %dma_wait3A_111 = tpu.memref_slice %arg6[%mul3A_2, %dma_wait3A_110] : memref<320000x128xf32, #tpu.memory_space<hbm>> -> memref<200x128xf32, #tpu.memory_space<hbm>>
          tpu.wait_dma2 semaphore(%arg15 : memref<!tpu.dma_semaphore, #tpu.memory_space<semaphore_mem>>) src(%arg9 : memref<200x128xf32, #tpu.memory_space<vmem>>) dst(%dma_wait3A_111 : memref<200x128xf32, #tpu.memory_space<hbm>>)
        } else {
        }
        %add3A_94 = arith.constant 1 : i32
        %add3A_95 = arith.addi %add3A_59, %add3A_94 : i32
        %mul3A_96 = arith.constant 200 : i32
        %mul3A_97 = arith.muli %add3A_95, %mul3A_96 : i32
        %dma_start3A_98 = tpu.memref_slice %arg7[%mul3A_97] : memref<10000xi32, #tpu.memory_space<vmem>> -> memref<200xi32, #tpu.memory_space<vmem>>
        %dma_start3A_99 = arith.constant 0 : i32
        %dma_start3A_100 = arith.constant 0 : i32
        %dma_start3A_101 = tpu.memref_slice %arg2[%dma_start3A_99, %dma_start3A_100] : memref<10000x128xf32, #tpu.memory_space<hbm>> -> memref<10000x128xf32, #tpu.memory_space<hbm>>
        tpu.enqueue_indirect_dma source(%dma_start3A_101 : memref<10000x128xf32, #tpu.memory_space<hbm>>) target(%arg9 : memref<200x128xf32, #tpu.memory_space<vmem>>) offsets(%dma_start3A_98 : memref<200xi32, #tpu.memory_space<vmem>>) semaphore(%arg13 : memref<!tpu.dma_semaphore, #tpu.memory_space<semaphore_mem>>)
        %mul3A_102 = arith.constant 200 : i32
        %mul3A_103 = arith.muli %add3A_95, %mul3A_102 : i32
        %dma_start3A_104 = tpu.memref_slice %arg8[%mul3A_103] : memref<10000xi32, #tpu.memory_space<vmem>> -> memref<200xi32, #tpu.memory_space<vmem>>
        %dma_start3A_105 = arith.constant 0 : i32
        %dma_start3A_106 = arith.constant 0 : i32
        %dma_start3A_107 = tpu.memref_slice %arg3[%dma_start3A_105, %dma_start3A_106] : memref<10000x128xf32, #tpu.memory_space<hbm>> -> memref<10000x128xf32, #tpu.memory_space<hbm>>
        tpu.enqueue_indirect_dma source(%dma_start3A_107 : memref<10000x128xf32, #tpu.memory_space<hbm>>) target(%arg11 : memref<200x128xf32, #tpu.memory_space<vmem>>) offsets(%dma_start3A_104 : memref<200xi32, #tpu.memory_space<vmem>>) semaphore(%arg13 : memref<!tpu.dma_semaphore, #tpu.memory_space<semaphore_mem>>)
      } else {
      }
      %dma_wait3A_67 = arith.constant 0 : i32
      %dma_wait3A_68 = tpu.memref_slice %arg7[%dma_wait3A_67] : memref<10000xi32, #tpu.memory_space<vmem>> -> memref<200xi32, #tpu.memory_space<vmem>>
      %dma_wait3A_69 = arith.constant 0 : i32
      %dma_wait3A_70 = arith.constant 0 : i32
      %dma_wait3A_71 = tpu.memref_slice %arg2[%dma_wait3A_69, %dma_wait3A_70] : memref<10000x128xf32, #tpu.memory_space<hbm>> -> memref<10000x128xf32, #tpu.memory_space<hbm>>
      tpu.wait_indirect_dma semaphore(%arg14 : memref<!tpu.dma_semaphore, #tpu.memory_space<semaphore_mem>>) src(%dma_wait3A_71 : memref<10000x128xf32, #tpu.memory_space<hbm>>) dst(%arg10 : memref<200x128xf32, #tpu.memory_space<vmem>>)
      %dma_wait3A_72 = arith.constant 0 : i32
      %dma_wait3A_73 = tpu.memref_slice %arg8[%dma_wait3A_72] : memref<10000xi32, #tpu.memory_space<vmem>> -> memref<200xi32, #tpu.memory_space<vmem>>
      %dma_wait3A_74 = arith.constant 0 : i32
      %dma_wait3A_75 = arith.constant 0 : i32
      %dma_wait3A_76 = tpu.memref_slice %arg3[%dma_wait3A_74, %dma_wait3A_75] : memref<10000x128xf32, #tpu.memory_space<hbm>> -> memref<10000x128xf32, #tpu.memory_space<hbm>>
      tpu.wait_indirect_dma semaphore(%arg14 : memref<!tpu.dma_semaphore, #tpu.memory_space<semaphore_mem>>) src(%dma_wait3A_76 : memref<10000x128xf32, #tpu.memory_space<hbm>>) dst(%arg12 : memref<200x128xf32, #tpu.memory_space<vmem>>)
      %scan3A_77 = arith.constant 0 : i32
      %scan3A_78 = arith.constant 0 : i32
      %scan3A_79 = arith.constant 200 : i32
      %scan3A_80 = arith.addi %scan3A_78, %scan3A_79 : i32
      %scan3A_81 = arith.constant 1 : i32
      scf.for %scan3A_90 = %scan3A_78 to %scan3A_80 step %scan3A_81  : i32 {
        %get3A = arith.index_cast %scan3A_90 : i32 to index
        %get3A_91 = arith.constant 0 : index
        %get3A_92 = tpu.vector_load %arg10[%get3A, %get3A_91] {strides = array<i32>} : memref<200x128xf32, #tpu.memory_space<vmem>>, vector<1x16xf32>,
        %get3A_93 = vector.shape_cast %get3A_92 : vector<1x16xf32> to vector<16xf32>
        %get3A_94 = arith.index_cast %scan3A_90 : i32 to index
        %get3A_95 = arith.constant 0 : index
        %get3A_96 = tpu.vector_load %arg12[%get3A_94, %get3A_95] {strides = array<i32>} : memref<200x128xf32, #tpu.memory_space<vmem>>, vector<1x16xf32>,
        %get3A_97 = vector.shape_cast %get3A_96 : vector<1x16xf32> to vector<16xf32>
        %add3A_98 = arith.addf %get3A_93, %get3A_97 : vector<16xf32>
        %swap3A = arith.index_cast %scan3A_90 : i32 to index
        %swap3A_99 = arith.constant 0 : index
        %swap3A_100 = tpu.vector_load %arg10[%swap3A, %swap3A_99] {strides = array<i32>} : memref<200x128xf32, #tpu.memory_space<vmem>>, vector<1x16xf32>,
        %swap3A_101 = vector.shape_cast %swap3A_100 : vector<1x16xf32> to vector<16xf32>
        %swap3A_102 = vector.shape_cast %add3A_98 : vector<16xf32> to vector<1x16xf32>
        tpu.vector_store %arg10[%swap3A, %swap3A_99], %swap3A_102 {strides = array<i32>} : memref<200x128xf32, #tpu.memory_space<vmem>>, vector<1x16xf32>,
        %get3A_103 = arith.index_cast %scan3A_90 : i32 to index
        %get3A_104 = arith.constant 16 : index
        %get3A_105 = tpu.vector_load %arg10[%get3A_103, %get3A_104] {strides = array<i32>} : memref<200x128xf32, #tpu.memory_space<vmem>>, vector<1x16xf32>,
        %get3A_106 = vector.shape_cast %get3A_105 : vector<1x16xf32> to vector<16xf32>
        %get3A_107 = arith.index_cast %scan3A_90 : i32 to index
        %get3A_108 = arith.constant 16 : index
        %get3A_109 = tpu.vector_load %arg12[%get3A_107, %get3A_108] {strides = array<i32>} : memref<200x128xf32, #tpu.memory_space<vmem>>, vector<1x16xf32>,
        %get3A_110 = vector.shape_cast %get3A_109 : vector<1x16xf32> to vector<16xf32>
        %add3A_111 = arith.addf %get3A_106, %get3A_110 : vector<16xf32>
        %swap3A_112 = arith.index_cast %scan3A_90 : i32 to index
        %swap3A_113 = arith.constant 16 : index
        %swap3A_114 = tpu.vector_load %arg10[%swap3A_112, %swap3A_113] {strides = array<i32>} : memref<200x128xf32, #tpu.memory_space<vmem>>, vector<1x16xf32>,
        %swap3A_115 = vector.shape_cast %swap3A_114 : vector<1x16xf32> to vector<16xf32>
        %swap3A_116 = vector.shape_cast %add3A_111 : vector<16xf32> to vector<1x16xf32>
        tpu.vector_store %arg10[%swap3A_112, %swap3A_113], %swap3A_116 {strides = array<i32>} : memref<200x128xf32, #tpu.memory_space<vmem>>, vector<1x16xf32>,
        %get3A_117 = arith.index_cast %scan3A_90 : i32 to index
        %get3A_118 = arith.constant 32 : index
        %get3A_119 = tpu.vector_load %arg10[%get3A_117, %get3A_118] {strides = array<i32>} : memref<200x128xf32, #tpu.memory_space<vmem>>, vector<1x16xf32>,
        %get3A_120 = vector.shape_cast %get3A_119 : vector<1x16xf32> to vector<16xf32>
        %get3A_121 = arith.index_cast %scan3A_90 : i32 to index
        %get3A_122 = arith.constant 32 : index
        %get3A_123 = tpu.vector_load %arg12[%get3A_121, %get3A_122] {strides = array<i32>} : memref<200x128xf32, #tpu.memory_space<vmem>>, vector<1x16xf32>,
        %get3A_124 = vector.shape_cast %get3A_123 : vector<1x16xf32> to vector<16xf32>
        %add3A_125 = arith.addf %get3A_120, %get3A_124 : vector<16xf32>
        %swap3A_126 = arith.index_cast %scan3A_90 : i32 to index
        %swap3A_127 = arith.constant 32 : index
        %swap3A_128 = tpu.vector_load %arg10[%swap3A_126, %swap3A_127] {strides = array<i32>} : memref<200x128xf32, #tpu.memory_space<vmem>>, vector<1x16xf32>,
        %swap3A_129 = vector.shape_cast %swap3A_128 : vector<1x16xf32> to vector<16xf32>
        %swap3A_130 = vector.shape_cast %add3A_125 : vector<16xf32> to vector<1x16xf32>
        tpu.vector_store %arg10[%swap3A_126, %swap3A_127], %swap3A_130 {strides = array<i32>} : memref<200x128xf32, #tpu.memory_space<vmem>>, vector<1x16xf32>,
        %get3A_131 = arith.index_cast %scan3A_90 : i32 to index
        %get3A_132 = arith.constant 48 : index
        %get3A_133 = tpu.vector_load %arg10[%get3A_131, %get3A_132] {strides = array<i32>} : memref<200x128xf32, #tpu.memory_space<vmem>>, vector<1x16xf32>,
        %get3A_134 = vector.shape_cast %get3A_133 : vector<1x16xf32> to vector<16xf32>
        %get3A_135 = arith.index_cast %scan3A_90 : i32 to index
        %get3A_136 = arith.constant 48 : index
        %get3A_137 = tpu.vector_load %arg12[%get3A_135, %get3A_136] {strides = array<i32>} : memref<200x128xf32, #tpu.memory_space<vmem>>, vector<1x16xf32>,
        %get3A_138 = vector.shape_cast %get3A_137 : vector<1x16xf32> to vector<16xf32>
        %add3A_139 = arith.addf %get3A_134, %get3A_138 : vector<16xf32>
        %swap3A_140 = arith.index_cast %scan3A_90 : i32 to index
        %swap3A_141 = arith.constant 48 : index
        %swap3A_142 = tpu.vector_load %arg10[%swap3A_140, %swap3A_141] {strides = array<i32>} : memref<200x128xf32, #tpu.memory_space<vmem>>, vector<1x16xf32>,
        %swap3A_143 = vector.shape_cast %swap3A_142 : vector<1x16xf32> to vector<16xf32>
        %swap3A_144 = vector.shape_cast %add3A_139 : vector<16xf32> to vector<1x16xf32>
        tpu.vector_store %arg10[%swap3A_140, %swap3A_141], %swap3A_144 {strides = array<i32>} : memref<200x128xf32, #tpu.memory_space<vmem>>, vector<1x16xf32>,
        %get3A_145 = arith.index_cast %scan3A_90 : i32 to index
        %get3A_146 = arith.constant 64 : index
        %get3A_147 = tpu.vector_load %arg10[%get3A_145, %get3A_146] {strides = array<i32>} : memref<200x128xf32, #tpu.memory_space<vmem>>, vector<1x16xf32>,
        %get3A_148 = vector.shape_cast %get3A_147 : vector<1x16xf32> to vector<16xf32>
        %get3A_149 = arith.index_cast %scan3A_90 : i32 to index
        %get3A_150 = arith.constant 64 : index
        %get3A_151 = tpu.vector_load %arg12[%get3A_149, %get3A_150] {strides = array<i32>} : memref<200x128xf32, #tpu.memory_space<vmem>>, vector<1x16xf32>,
        %get3A_152 = vector.shape_cast %get3A_151 : vector<1x16xf32> to vector<16xf32>
        %add3A_153 = arith.addf %get3A_148, %get3A_152 : vector<16xf32>
        %swap3A_154 = arith.index_cast %scan3A_90 : i32 to index
        %swap3A_155 = arith.constant 64 : index
        %swap3A_156 = tpu.vector_load %arg10[%swap3A_154, %swap3A_155] {strides = array<i32>} : memref<200x128xf32, #tpu.memory_space<vmem>>, vector<1x16xf32>,
        %swap3A_157 = vector.shape_cast %swap3A_156 : vector<1x16xf32> to vector<16xf32>
        %swap3A_158 = vector.shape_cast %add3A_153 : vector<16xf32> to vector<1x16xf32>
        tpu.vector_store %arg10[%swap3A_154, %swap3A_155], %swap3A_158 {strides = array<i32>} : memref<200x128xf32, #tpu.memory_space<vmem>>, vector<1x16xf32>,
        %get3A_159 = arith.index_cast %scan3A_90 : i32 to index
        %get3A_160 = arith.constant 80 : index
        %get3A_161 = tpu.vector_load %arg10[%get3A_159, %get3A_160] {strides = array<i32>} : memref<200x128xf32, #tpu.memory_space<vmem>>, vector<1x16xf32>,
        %get3A_162 = vector.shape_cast %get3A_161 : vector<1x16xf32> to vector<16xf32>
        %get3A_163 = arith.index_cast %scan3A_90 : i32 to index
        %get3A_164 = arith.constant 80 : index
        %get3A_165 = tpu.vector_load %arg12[%get3A_163, %get3A_164] {strides = array<i32>} : memref<200x128xf32, #tpu.memory_space<vmem>>, vector<1x16xf32>,
        %get3A_166 = vector.shape_cast %get3A_165 : vector<1x16xf32> to vector<16xf32>
        %add3A_167 = arith.addf %get3A_162, %get3A_166 : vector<16xf32>
        %swap3A_168 = arith.index_cast %scan3A_90 : i32 to index
        %swap3A_169 = arith.constant 80 : index
        %swap3A_170 = tpu.vector_load %arg10[%swap3A_168, %swap3A_169] {strides = array<i32>} : memref<200x128xf32, #tpu.memory_space<vmem>>, vector<1x16xf32>,
        %swap3A_171 = vector.shape_cast %swap3A_170 : vector<1x16xf32> to vector<16xf32>
        %swap3A_172 = vector.shape_cast %add3A_167 : vector<16xf32> to vector<1x16xf32>
        tpu.vector_store %arg10[%swap3A_168, %swap3A_169], %swap3A_172 {strides = array<i32>} : memref<200x128xf32, #tpu.memory_space<vmem>>, vector<1x16xf32>,
        %get3A_173 = arith.index_cast %scan3A_90 : i32 to index
        %get3A_174 = arith.constant 96 : index
        %get3A_175 = tpu.vector_load %arg10[%get3A_173, %get3A_174] {strides = array<i32>} : memref<200x128xf32, #tpu.memory_space<vmem>>, vector<1x16xf32>,
        %get3A_176 = vector.shape_cast %get3A_175 : vector<1x16xf32> to vector<16xf32>
        %get3A_177 = arith.index_cast %scan3A_90 : i32 to index
        %get3A_178 = arith.constant 96 : index
        %get3A_179 = tpu.vector_load %arg12[%get3A_177, %get3A_178] {strides = array<i32>} : memref<200x128xf32, #tpu.memory_space<vmem>>, vector<1x16xf32>,
        %get3A_180 = vector.shape_cast %get3A_179 : vector<1x16xf32> to vector<16xf32>
        %add3A_181 = arith.addf %get3A_176, %get3A_180 : vector<16xf32>
        %swap3A_182 = arith.index_cast %scan3A_90 : i32 to index
        %swap3A_183 = arith.constant 96 : index
        %swap3A_184 = tpu.vector_load %arg10[%swap3A_182, %swap3A_183] {strides = array<i32>} : memref<200x128xf32, #tpu.memory_space<vmem>>, vector<1x16xf32>,
        %swap3A_185 = vector.shape_cast %swap3A_184 : vector<1x16xf32> to vector<16xf32>
        %swap3A_186 = vector.shape_cast %add3A_181 : vector<16xf32> to vector<1x16xf32>
        tpu.vector_store %arg10[%swap3A_182, %swap3A_183], %swap3A_186 {strides = array<i32>} : memref<200x128xf32, #tpu.memory_space<vmem>>, vector<1x16xf32>,
        %get3A_187 = arith.index_cast %scan3A_90 : i32 to index
        %get3A_188 = arith.constant 112 : index
        %get3A_189 = tpu.vector_load %arg10[%get3A_187, %get3A_188] {strides = array<i32>} : memref<200x128xf32, #tpu.memory_space<vmem>>, vector<1x16xf32>,
        %get3A_190 = vector.shape_cast %get3A_189 : vector<1x16xf32> to vector<16xf32>
        %get3A_191 = arith.index_cast %scan3A_90 : i32 to index
        %get3A_192 = arith.constant 112 : index
        %get3A_193 = tpu.vector_load %arg12[%get3A_191, %get3A_192] {strides = array<i32>} : memref<200x128xf32, #tpu.memory_space<vmem>>, vector<1x16xf32>,
        %get3A_194 = vector.shape_cast %get3A_193 : vector<1x16xf32> to vector<16xf32>
        %add3A_195 = arith.addf %get3A_190, %get3A_194 : vector<16xf32>
        %swap3A_196 = arith.index_cast %scan3A_90 : i32 to index
        %swap3A_197 = arith.constant 112 : index
        %swap3A_198 = tpu.vector_load %arg10[%swap3A_196, %swap3A_197] {strides = array<i32>} : memref<200x128xf32, #tpu.memory_space<vmem>>, vector<1x16xf32>,
        %swap3A_199 = vector.shape_cast %swap3A_198 : vector<1x16xf32> to vector<16xf32>
        %swap3A_200 = vector.shape_cast %add3A_195 : vector<16xf32> to vector<1x16xf32>
        tpu.vector_store %arg10[%swap3A_196, %swap3A_197], %swap3A_200 {strides = array<i32>} : memref<200x128xf32, #tpu.memory_space<vmem>>, vector<1x16xf32>,
      }
      %scan3A_82 = arith.constant 200 : i32
      %mul3A_83 = arith.constant 200 : i32
      %mul3A_84 = arith.muli %add3A_59, %mul3A_83 : i32
      %add3A_85 = arith.addi %mul3A_2, %mul3A_84 : i32
      %dma_start3A_86 = arith.constant 0 : i32
      %dma_start3A_87 = tpu.memref_slice %arg6[%add3A_85, %dma_start3A_86] : memref<320000x128xf32, #tpu.memory_space<hbm>> -> memref<200x128xf32, #tpu.memory_space<hbm>>
      %dma_start3A_88 = arith.constant 0 : i32
      %dma_start3A_89 = tpu.memref_slice %arg6[%add3A_85, %dma_start3A_88] : memref<320000x128xf32, #tpu.memory_space<hbm>> -> memref<200x128xf32, #tpu.memory_space<hbm>>
      tpu.enqueue_dma source(%arg10 : memref<200x128xf32, #tpu.memory_space<vmem>>) target(%dma_start3A_89 : memref<200x128xf32, #tpu.memory_space<hbm>>) target_semaphore(%arg16 : memref<!tpu.dma_semaphore, #tpu.memory_space<semaphore_mem>>)
    }
    %scan3A_16 = arith.constant 25 : i32
    %dma_wait3A = arith.constant 0 : i32
    %dma_wait3A_17 = tpu.memref_slice %arg6[%mul3A_2, %dma_wait3A] : memref<320000x128xf32, #tpu.memory_space<hbm>> -> memref<200x128xf32, #tpu.memory_space<hbm>>
    %dma_wait3A_18 = arith.constant 0 : i32
    %dma_wait3A_19 = tpu.memref_slice %arg6[%mul3A_2, %dma_wait3A_18] : memref<320000x128xf32, #tpu.memory_space<hbm>> -> memref<200x128xf32, #tpu.memory_space<hbm>>
    tpu.wait_dma2 semaphore(%arg15 : memref<!tpu.dma_semaphore, #tpu.memory_space<semaphore_mem>>) src(%arg9 : memref<200x128xf32, #tpu.memory_space<vmem>>) dst(%dma_wait3A_19 : memref<200x128xf32, #tpu.memory_space<hbm>>)
    %dma_wait3A_20 = arith.constant 0 : i32
    %dma_wait3A_21 = tpu.memref_slice %arg6[%mul3A_2, %dma_wait3A_20] : memref<320000x128xf32, #tpu.memory_space<hbm>> -> memref<200x128xf32, #tpu.memory_space<hbm>>
    %dma_wait3A_22 = arith.constant 0 : i32
    %dma_wait3A_23 = tpu.memref_slice %arg6[%mul3A_2, %dma_wait3A_22] : memref<320000x128xf32, #tpu.memory_space<hbm>> -> memref<200x128xf32, #tpu.memory_space<hbm>>
    tpu.wait_dma2 semaphore(%arg16 : memref<!tpu.dma_semaphore, #tpu.memory_space<semaphore_mem>>) src(%arg10 : memref<200x128xf32, #tpu.memory_space<vmem>>) dst(%dma_wait3A_23 : memref<200x128xf32, #tpu.memory_space<hbm>>)
    return
  }
}

module attributes {stable_mosaic.version = 14 : i64} {
  func.func @_uv_body(%arg0: i32, %arg1: memref<2000x128xf32, #tpu.memory_space<vmem>>, %arg2: memref<384x128xf32, #tpu.memory_space<vmem>>, %arg3: memref<1x128xf32, #tpu.memory_space<vmem>>, %arg4: memref<2000x128xf32, #tpu.memory_space<vmem>>, %arg5: memref<2000x128xf32, #tpu.memory_space<vmem>>) attributes {dimension_semantics = [#tpu.dimension_semantics<arbitrary>], iteration_bounds = array<i64: 5>, scalar_prefetch = 0 : i64, scratch_operands = 0 : i64, tpu.core_type = #tpu.core_type<tc>, window_params = [{transform_indices = @transform_0, window_bounds = array<i64: 2000, 128>}, {pipeline_mode = #tpu.pipeline_mode<synchronous>, transform_indices = @transform_1, window_bounds = array<i64: 384, 128>}, {pipeline_mode = #tpu.pipeline_mode<synchronous>, transform_indices = @transform_2, window_bounds = array<i64: 1, 128>}, {transform_indices = @transform_3, window_bounds = array<i64: 2000, 128>}, {transform_indices = @transform_4, window_bounds = array<i64: 2000, 128>}]} {
    %get3A = arith.constant 0 : index
    %get3A_0 = arith.constant 0 : index
    %get3A_1 = vector.load %arg1[%get3A, %get3A_0] : memref<2000x128xf32, #tpu.memory_space<vmem>>, vector<2000x128xf32>
    %get3A_2 = arith.constant 0 : index
    %get3A_3 = arith.constant 0 : index
    %get3A_4 = vector.load %arg2[%get3A_2, %get3A_3] : memref<384x128xf32, #tpu.memory_space<vmem>>, vector<128x128xf32>
    %dot_general3A = arith.constant dense<0.000000e+00> : vector<2000x128xf32>
    %dot_general3A_5 = tpu.matmul %get3A_1, %get3A_4, %dot_general3A {dimension_numbers = #tpu.dot_dimension_numbers<[1], [0], [0], [1], [0, 0, 1, 1], [], []>, transpose_lhs_hint = false} : vector<2000x128xf32>, vector<128x128xf32>, vector<2000x128xf32> -> vector<2000x128xf32>
    %get3A_6 = arith.constant 0 : index
    %get3A_7 = arith.constant 0 : index
    %get3A_8 = vector.load %arg3[%get3A_6, %get3A_7] : memref<1x128xf32, #tpu.memory_space<vmem>>, vector<1x128xf32>
    %add3A = vector.broadcast %get3A_8 : vector<1x128xf32> to vector<2000x128xf32>
    %add3A_9 = arith.addf %dot_general3A_5, %add3A : vector<2000x128xf32>
    %swap3A = arith.constant 0 : index
    %swap3A_10 = arith.constant 0 : index
    %swap3A_11 = vector.load %arg4[%swap3A, %swap3A_10] : memref<2000x128xf32, #tpu.memory_space<vmem>>, vector<2000x128xf32>
    tpu.vector_store %arg4[%swap3A, %swap3A_10], %add3A_9 {strides = array<i32>} : memref<2000x128xf32, #tpu.memory_space<vmem>>, vector<2000x128xf32>,
    %get3A_12 = arith.constant 128 : index
    %get3A_13 = arith.constant 0 : index
    %get3A_14 = vector.load %arg2[%get3A_12, %get3A_13] : memref<384x128xf32, #tpu.memory_space<vmem>>, vector<128x128xf32>
    %dot_general3A_15 = arith.constant dense<0.000000e+00> : vector<2000x128xf32>
    %dot_general3A_16 = tpu.matmul %get3A_1, %get3A_14, %dot_general3A_15 {dimension_numbers = #tpu.dot_dimension_numbers<[1], [0], [0], [1], [0, 0, 1, 1], [], []>, transpose_lhs_hint = false} : vector<2000x128xf32>, vector<128x128xf32>, vector<2000x128xf32> -> vector<2000x128xf32>
    %swap3A_17 = arith.constant 0 : index
    %swap3A_18 = arith.constant 0 : index
    %swap3A_19 = vector.load %arg5[%swap3A_17, %swap3A_18] : memref<2000x128xf32, #tpu.memory_space<vmem>>, vector<2000x128xf32>
    tpu.vector_store %arg5[%swap3A_17, %swap3A_18], %dot_general3A_16 {strides = array<i32>} : memref<2000x128xf32, #tpu.memory_space<vmem>>, vector<2000x128xf32>,
    return
  }
  func.func @transform_0(%arg0: i32) -> (i32, i32) {
    %c0_i32 = arith.constant 0 : i32
    %c0_i32_0 = arith.constant 0 : i32
    return %arg0, %c0_i32 : i32, i32
  }
  func.func @transform_1(%arg0: i32) -> (i32, i32) {
    %c0_i32 = arith.constant 0 : i32
    %c0_i32_0 = arith.constant 0 : i32
    %c0_i32_1 = arith.constant 0 : i32
    return %c0_i32, %c0_i32_0 : i32, i32
  }
  func.func @transform_2(%arg0: i32) -> (i32, i32) {
    %c0_i32 = arith.constant 0 : i32
    %c0_i32_0 = arith.constant 0 : i32
    %c0_i32_1 = arith.constant 0 : i32
    return %c0_i32, %c0_i32_0 : i32, i32
  }
  func.func @transform_3(%arg0: i32) -> (i32, i32) {
    %c0_i32 = arith.constant 0 : i32
    %c0_i32_0 = arith.constant 0 : i32
    return %arg0, %c0_i32 : i32, i32
  }
  func.func @transform_4(%arg0: i32) -> (i32, i32) {
    %c0_i32 = arith.constant 0 : i32
    %c0_i32_0 = arith.constant 0 : i32
    return %arg0, %c0_i32 : i32, i32
  }
}

module attributes {stable_mosaic.version = 14 : i64} {
  func.func @_edge_mlp_body(%arg0: i32, %arg1: memref<2560x128xf32, #tpu.memory_space<vmem>>, %arg2: memref<2560x128xf32, #tpu.memory_space<vmem>>, %arg3: memref<128x128xf32, #tpu.memory_space<vmem>>, %arg4: memref<128x128xf32, #tpu.memory_space<vmem>>, %arg5: memref<1x128xf32, #tpu.memory_space<vmem>>, %arg6: memref<128x128xf32, #tpu.memory_space<vmem>>, %arg7: memref<1x128xf32, #tpu.memory_space<vmem>>, %arg8: memref<1x128xf32, #tpu.memory_space<vmem>>, %arg9: memref<1x128xf32, #tpu.memory_space<vmem>>, %arg10: memref<2560x128xf32, #tpu.memory_space<vmem>>, %arg11: memref<2560x128xf32, #tpu.memory_space<vmem>>) attributes {dimension_semantics = [#tpu.dimension_semantics<arbitrary>], iteration_bounds = array<i64: 125>, scalar_prefetch = 0 : i64, scratch_operands = 0 : i64, tpu.core_type = #tpu.core_type<tc>, window_params = [{transform_indices = @transform_0, window_bounds = array<i64: 2560, 128>}, {transform_indices = @transform_1, window_bounds = array<i64: 2560, 128>}, {pipeline_mode = #tpu.pipeline_mode<synchronous>, transform_indices = @transform_2, window_bounds = array<i64: 128, 128>}, {pipeline_mode = #tpu.pipeline_mode<synchronous>, transform_indices = @transform_3, window_bounds = array<i64: 128, 128>}, {pipeline_mode = #tpu.pipeline_mode<synchronous>, transform_indices = @transform_4, window_bounds = array<i64: 1, 128>}, {pipeline_mode = #tpu.pipeline_mode<synchronous>, transform_indices = @transform_5, window_bounds = array<i64: 128, 128>}, {pipeline_mode = #tpu.pipeline_mode<synchronous>, transform_indices = @transform_6, window_bounds = array<i64: 1, 128>}, {pipeline_mode = #tpu.pipeline_mode<synchronous>, transform_indices = @transform_7, window_bounds = array<i64: 1, 128>}, {pipeline_mode = #tpu.pipeline_mode<synchronous>, transform_indices = @transform_8, window_bounds = array<i64: 1, 128>}, {transform_indices = @transform_9, window_bounds = array<i64: 2560, 128>}, {transform_indices = @transform_10, window_bounds = array<i64: 2560, 128>}]} {
    %get3A = arith.constant 0 : index
    %get3A_0 = arith.constant 0 : index
    %get3A_1 = vector.load %arg2[%get3A, %get3A_0] : memref<2560x128xf32, #tpu.memory_space<vmem>>, vector<2560x128xf32>
    %get3A_2 = arith.constant 0 : index
    %get3A_3 = arith.constant 0 : index
    %get3A_4 = vector.load %arg1[%get3A_2, %get3A_3] : memref<2560x128xf32, #tpu.memory_space<vmem>>, vector<2560x128xf32>
    %get3A_5 = arith.constant 0 : index
    %get3A_6 = arith.constant 0 : index
    %get3A_7 = vector.load %arg3[%get3A_5, %get3A_6] : memref<128x128xf32, #tpu.memory_space<vmem>>, vector<128x128xf32>
    %dot_general3A = arith.constant dense<0.000000e+00> : vector<2560x128xf32>
    %dot_general3A_8 = tpu.matmul %get3A_1, %get3A_7, %dot_general3A {dimension_numbers = #tpu.dot_dimension_numbers<[1], [0], [0], [1], [0, 0, 1, 1], [], []>, transpose_lhs_hint = false} : vector<2560x128xf32>, vector<128x128xf32>, vector<2560x128xf32> -> vector<2560x128xf32>
    %add3A = arith.addf %get3A_4, %dot_general3A_8 : vector<2560x128xf32>
    %max3A = arith.constant 0.000000e+00 : f32
    %max3A_9 = vector.broadcast %max3A : f32 to vector<2560x128xf32>
    %max3A_10 = arith.maximumf %add3A, %max3A_9 : vector<2560x128xf32>
    %get3A_11 = arith.constant 0 : index
    %get3A_12 = arith.constant 0 : index
    %get3A_13 = vector.load %arg4[%get3A_11, %get3A_12] : memref<128x128xf32, #tpu.memory_space<vmem>>, vector<128x128xf32>
    %dot_general3A_14 = arith.constant dense<0.000000e+00> : vector<2560x128xf32>
    %dot_general3A_15 = tpu.matmul %max3A_10, %get3A_13, %dot_general3A_14 {dimension_numbers = #tpu.dot_dimension_numbers<[1], [0], [0], [1], [0, 0, 1, 1], [], []>, transpose_lhs_hint = false} : vector<2560x128xf32>, vector<128x128xf32>, vector<2560x128xf32> -> vector<2560x128xf32>
    %get3A_16 = arith.constant 0 : index
    %get3A_17 = arith.constant 0 : index
    %get3A_18 = vector.load %arg5[%get3A_16, %get3A_17] : memref<1x128xf32, #tpu.memory_space<vmem>>, vector<1x128xf32>
    %add3A_19 = vector.broadcast %get3A_18 : vector<1x128xf32> to vector<2560x128xf32>
    %add3A_20 = arith.addf %dot_general3A_15, %add3A_19 : vector<2560x128xf32>
    %max3A_21 = arith.constant 0.000000e+00 : f32
    %max3A_22 = vector.broadcast %max3A_21 : f32 to vector<2560x128xf32>
    %max3A_23 = arith.maximumf %add3A_20, %max3A_22 : vector<2560x128xf32>
    %get3A_24 = arith.constant 0 : index
    %get3A_25 = arith.constant 0 : index
    %get3A_26 = vector.load %arg6[%get3A_24, %get3A_25] : memref<128x128xf32, #tpu.memory_space<vmem>>, vector<128x128xf32>
    %dot_general3A_27 = arith.constant dense<0.000000e+00> : vector<2560x128xf32>
    %dot_general3A_28 = tpu.matmul %max3A_23, %get3A_26, %dot_general3A_27 {dimension_numbers = #tpu.dot_dimension_numbers<[1], [0], [0], [1], [0, 0, 1, 1], [], []>, transpose_lhs_hint = false} : vector<2560x128xf32>, vector<128x128xf32>, vector<2560x128xf32> -> vector<2560x128xf32>
    %get3A_29 = arith.constant 0 : index
    %get3A_30 = arith.constant 0 : index
    %get3A_31 = vector.load %arg7[%get3A_29, %get3A_30] : memref<1x128xf32, #tpu.memory_space<vmem>>, vector<1x128xf32>
    %add3A_32 = vector.broadcast %get3A_31 : vector<1x128xf32> to vector<2560x128xf32>
    %add3A_33 = arith.addf %dot_general3A_28, %add3A_32 : vector<2560x128xf32>
    %reduce_sum3A = arith.constant dense<0.000000e+00> : vector<2560xf32>
    %reduce_sum3A_34 = vector.multi_reduction <add>, %add3A_33, %reduce_sum3A [1] : vector<2560x128xf32> to vector<2560xf32>
    %broadcast_in_dim3A = vector.shape_cast %reduce_sum3A_34 : vector<2560xf32> to vector<2560x1xf32>
    %div3A = arith.constant 1.280000e+02 : f32
    %div3A_35 = vector.broadcast %div3A : f32 to vector<2560x1xf32>
    %div3A_36 = arith.divf %broadcast_in_dim3A, %div3A_35 : vector<2560x1xf32>
    %sub3A = vector.broadcast %div3A_36 : vector<2560x1xf32> to vector<2560x128xf32>
    %sub3A_37 = arith.subf %add3A_33, %sub3A : vector<2560x128xf32>
    %mul3A = arith.mulf %sub3A_37, %sub3A_37 : vector<2560x128xf32>
    %reduce_sum3A_38 = arith.constant dense<0.000000e+00> : vector<2560xf32>
    %reduce_sum3A_39 = vector.multi_reduction <add>, %mul3A, %reduce_sum3A_38 [1] : vector<2560x128xf32> to vector<2560xf32>
    %broadcast_in_dim3A_40 = vector.shape_cast %reduce_sum3A_39 : vector<2560xf32> to vector<2560x1xf32>
    %div3A_41 = arith.constant 1.280000e+02 : f32
    %div3A_42 = vector.broadcast %div3A_41 : f32 to vector<2560x1xf32>
    %div3A_43 = arith.divf %broadcast_in_dim3A_40, %div3A_42 : vector<2560x1xf32>
    %get3A_44 = arith.constant 0 : index
    %get3A_45 = arith.constant 0 : index
    %get3A_46 = vector.load %arg8[%get3A_44, %get3A_45] : memref<1x128xf32, #tpu.memory_space<vmem>>, vector<1x128xf32>
    %mul3A_47 = vector.broadcast %get3A_46 : vector<1x128xf32> to vector<2560x128xf32>
    %mul3A_48 = arith.mulf %mul3A_47, %sub3A_37 : vector<2560x128xf32>
    %add3A_49 = arith.constant 9.99999974E-6 : f32
    %add3A_50 = vector.broadcast %add3A_49 : f32 to vector<2560x1xf32>
    %add3A_51 = arith.addf %div3A_43, %add3A_50 : vector<2560x1xf32>
    %rsqrt3A = math.rsqrt %add3A_51 : vector<2560x1xf32>
    %mul3A_52 = vector.broadcast %rsqrt3A : vector<2560x1xf32> to vector<2560x128xf32>
    %mul3A_53 = arith.mulf %mul3A_48, %mul3A_52 : vector<2560x128xf32>
    %get3A_54 = arith.constant 0 : index
    %get3A_55 = arith.constant 0 : index
    %get3A_56 = vector.load %arg9[%get3A_54, %get3A_55] : memref<1x128xf32, #tpu.memory_space<vmem>>, vector<1x128xf32>
    %add3A_57 = vector.broadcast %get3A_56 : vector<1x128xf32> to vector<2560x128xf32>
    %add3A_58 = arith.addf %mul3A_53, %add3A_57 : vector<2560x128xf32>
    %swap3A = arith.constant 0 : index
    %swap3A_59 = arith.constant 0 : index
    %swap3A_60 = vector.load %arg10[%swap3A, %swap3A_59] : memref<2560x128xf32, #tpu.memory_space<vmem>>, vector<2560x128xf32>
    tpu.vector_store %arg10[%swap3A, %swap3A_59], %add3A_58 {strides = array<i32>} : memref<2560x128xf32, #tpu.memory_space<vmem>>, vector<2560x128xf32>,
    %add3A_61 = arith.addf %get3A_1, %add3A_58 : vector<2560x128xf32>
    %swap3A_62 = arith.constant 0 : index
    %swap3A_63 = arith.constant 0 : index
    %swap3A_64 = vector.load %arg11[%swap3A_62, %swap3A_63] : memref<2560x128xf32, #tpu.memory_space<vmem>>, vector<2560x128xf32>
    tpu.vector_store %arg11[%swap3A_62, %swap3A_63], %add3A_61 {strides = array<i32>} : memref<2560x128xf32, #tpu.memory_space<vmem>>, vector<2560x128xf32>,
    return
  }
  func.func @transform_0(%arg0: i32) -> (i32, i32) {
    %c0_i32 = arith.constant 0 : i32
    %c0_i32_0 = arith.constant 0 : i32
    return %arg0, %c0_i32 : i32, i32
  }
  func.func @transform_1(%arg0: i32) -> (i32, i32) {
    %c0_i32 = arith.constant 0 : i32
    %c0_i32_0 = arith.constant 0 : i32
    return %arg0, %c0_i32 : i32, i32
  }
  func.func @transform_2(%arg0: i32) -> (i32, i32) {
    %c0_i32 = arith.constant 0 : i32
    %c0_i32_0 = arith.constant 0 : i32
    %c0_i32_1 = arith.constant 0 : i32
    return %c0_i32, %c0_i32_0 : i32, i32
  }
  func.func @transform_3(%arg0: i32) -> (i32, i32) {
    %c0_i32 = arith.constant 0 : i32
    %c0_i32_0 = arith.constant 0 : i32
    %c0_i32_1 = arith.constant 0 : i32
    return %c0_i32, %c0_i32_0 : i32, i32
  }
  func.func @transform_4(%arg0: i32) -> (i32, i32) {
    %c0_i32 = arith.constant 0 : i32
    %c0_i32_0 = arith.constant 0 : i32
    %c0_i32_1 = arith.constant 0 : i32
    return %c0_i32, %c0_i32_0 : i32, i32
  }
  func.func @transform_5(%arg0: i32) -> (i32, i32) {
    %c0_i32 = arith.constant 0 : i32
    %c0_i32_0 = arith.constant 0 : i32
    %c0_i32_1 = arith.constant 0 : i32
    return %c0_i32, %c0_i32_0 : i32, i32
  }
  func.func @transform_6(%arg0: i32) -> (i32, i32) {
    %c0_i32 = arith.constant 0 : i32
    %c0_i32_0 = arith.constant 0 : i32
    %c0_i32_1 = arith.constant 0 : i32
    return %c0_i32, %c0_i32_0 : i32, i32
  }
  func.func @transform_7(%arg0: i32) -> (i32, i32) {
    %c0_i32 = arith.constant 0 : i32
    %c0_i32_0 = arith.constant 0 : i32
    %c0_i32_1 = arith.constant 0 : i32
    return %c0_i32, %c0_i32_0 : i32, i32
  }
  func.func @transform_8(%arg0: i32) -> (i32, i32) {
    %c0_i32 = arith.constant 0 : i32
    %c0_i32_0 = arith.constant 0 : i32
    %c0_i32_1 = arith.constant 0 : i32
    return %c0_i32, %c0_i32_0 : i32, i32
  }
  func.func @transform_9(%arg0: i32) -> (i32, i32) {
    %c0_i32 = arith.constant 0 : i32
    %c0_i32_0 = arith.constant 0 : i32
    return %arg0, %c0_i32 : i32, i32
  }
  func.func @transform_10(%arg0: i32) -> (i32, i32) {
    %c0_i32 = arith.constant 0 : i32
    %c0_i32_0 = arith.constant 0 : i32
    return %arg0, %c0_i32 : i32, i32
  }
}

module attributes {stable_mosaic.version = 14 : i64} {
  func.func @_node_mlp_body(%arg0: i32, %arg1: memref<2000x128xf32, #tpu.memory_space<vmem>>, %arg2: memref<2000x128xf32, #tpu.memory_space<vmem>>, %arg3: memref<2000x128xf32, #tpu.memory_space<vmem>>, %arg4: memref<256x128xf32, #tpu.memory_space<vmem>>, %arg5: memref<1x128xf32, #tpu.memory_space<vmem>>, %arg6: memref<128x128xf32, #tpu.memory_space<vmem>>, %arg7: memref<1x128xf32, #tpu.memory_space<vmem>>, %arg8: memref<128x128xf32, #tpu.memory_space<vmem>>, %arg9: memref<1x128xf32, #tpu.memory_space<vmem>>, %arg10: memref<1x128xf32, #tpu.memory_space<vmem>>, %arg11: memref<1x128xf32, #tpu.memory_space<vmem>>, %arg12: memref<2000x128xf32, #tpu.memory_space<vmem>>) attributes {dimension_semantics = [#tpu.dimension_semantics<arbitrary>], iteration_bounds = array<i64: 5>, scalar_prefetch = 0 : i64, scratch_operands = 0 : i64, tpu.core_type = #tpu.core_type<tc>, window_params = [{transform_indices = @transform_0, window_bounds = array<i64: 2000, 128>}, {transform_indices = @transform_1, window_bounds = array<i64: 2000, 128>}, {transform_indices = @transform_2, window_bounds = array<i64: 2000, 128>}, {pipeline_mode = #tpu.pipeline_mode<synchronous>, transform_indices = @transform_3, window_bounds = array<i64: 256, 128>}, {pipeline_mode = #tpu.pipeline_mode<synchronous>, transform_indices = @transform_4, window_bounds = array<i64: 1, 128>}, {pipeline_mode = #tpu.pipeline_mode<synchronous>, transform_indices = @transform_5, window_bounds = array<i64: 128, 128>}, {pipeline_mode = #tpu.pipeline_mode<synchronous>, transform_indices = @transform_6, window_bounds = array<i64: 1, 128>}, {pipeline_mode = #tpu.pipeline_mode<synchronous>, transform_indices = @transform_7, window_bounds = array<i64: 128, 128>}, {pipeline_mode = #tpu.pipeline_mode<synchronous>, transform_indices = @transform_8, window_bounds = array<i64: 1, 128>}, {pipeline_mode = #tpu.pipeline_mode<synchronous>, transform_indices = @transform_9, window_bounds = array<i64: 1, 128>}, {pipeline_mode = #tpu.pipeline_mode<synchronous>, transform_indices = @transform_10, window_bounds = array<i64: 1, 128>}, {transform_indices = @transform_11, window_bounds = array<i64: 2000, 128>}]} {
    %get3A = arith.constant 0 : index
    %get3A_0 = arith.constant 0 : index
    %get3A_1 = vector.load %arg1[%get3A, %get3A_0] : memref<2000x128xf32, #tpu.memory_space<vmem>>, vector<2000x128xf32>
    %get3A_2 = arith.constant 0 : index
    %get3A_3 = arith.constant 0 : index
    %get3A_4 = vector.load %arg2[%get3A_2, %get3A_3] : memref<2000x128xf32, #tpu.memory_space<vmem>>, vector<2000x128xf32>
    %get3A_5 = arith.constant 0 : index
    %get3A_6 = arith.constant 0 : index
    %get3A_7 = vector.load %arg3[%get3A_5, %get3A_6] : memref<2000x128xf32, #tpu.memory_space<vmem>>, vector<2000x128xf32>
    %add3A = arith.addf %get3A_4, %get3A_7 : vector<2000x128xf32>
    %get3A_8 = arith.constant 0 : index
    %get3A_9 = arith.constant 0 : index
    %get3A_10 = vector.load %arg4[%get3A_8, %get3A_9] : memref<256x128xf32, #tpu.memory_space<vmem>>, vector<256x128xf32>
    %slice3A = vector.extract_strided_slice %get3A_10 {offsets = [0, 0], sizes = [128, 128], strides = [1, 1]} : vector<256x128xf32> to vector<128x128xf32>
    %dot_general3A = arith.constant dense<0.000000e+00> : vector<2000x128xf32>
    %dot_general3A_11 = tpu.matmul %get3A_1, %slice3A, %dot_general3A {dimension_numbers = #tpu.dot_dimension_numbers<[1], [0], [0], [1], [0, 0, 1, 1], [], []>, transpose_lhs_hint = false} : vector<2000x128xf32>, vector<128x128xf32>, vector<2000x128xf32> -> vector<2000x128xf32>
    %slice3A_12 = vector.extract_strided_slice %get3A_10 {offsets = [128, 0], sizes = [128, 128], strides = [1, 1]} : vector<256x128xf32> to vector<128x128xf32>
    %dot_general3A_13 = arith.constant dense<0.000000e+00> : vector<2000x128xf32>
    %dot_general3A_14 = tpu.matmul %add3A, %slice3A_12, %dot_general3A_13 {dimension_numbers = #tpu.dot_dimension_numbers<[1], [0], [0], [1], [0, 0, 1, 1], [], []>, transpose_lhs_hint = false} : vector<2000x128xf32>, vector<128x128xf32>, vector<2000x128xf32> -> vector<2000x128xf32>
    %add3A_15 = arith.addf %dot_general3A_11, %dot_general3A_14 : vector<2000x128xf32>
    %get3A_16 = arith.constant 0 : index
    %get3A_17 = arith.constant 0 : index
    %get3A_18 = vector.load %arg5[%get3A_16, %get3A_17] : memref<1x128xf32, #tpu.memory_space<vmem>>, vector<1x128xf32>
    %add3A_19 = vector.broadcast %get3A_18 : vector<1x128xf32> to vector<2000x128xf32>
    %add3A_20 = arith.addf %add3A_15, %add3A_19 : vector<2000x128xf32>
    %max3A = arith.constant 0.000000e+00 : f32
    %max3A_21 = vector.broadcast %max3A : f32 to vector<2000x128xf32>
    %max3A_22 = arith.maximumf %add3A_20, %max3A_21 : vector<2000x128xf32>
    %get3A_23 = arith.constant 0 : index
    %get3A_24 = arith.constant 0 : index
    %get3A_25 = vector.load %arg6[%get3A_23, %get3A_24] : memref<128x128xf32, #tpu.memory_space<vmem>>, vector<128x128xf32>
    %dot_general3A_26 = arith.constant dense<0.000000e+00> : vector<2000x128xf32>
    %dot_general3A_27 = tpu.matmul %max3A_22, %get3A_25, %dot_general3A_26 {dimension_numbers = #tpu.dot_dimension_numbers<[1], [0], [0], [1], [0, 0, 1, 1], [], []>, transpose_lhs_hint = false} : vector<2000x128xf32>, vector<128x128xf32>, vector<2000x128xf32> -> vector<2000x128xf32>
    %get3A_28 = arith.constant 0 : index
    %get3A_29 = arith.constant 0 : index
    %get3A_30 = vector.load %arg7[%get3A_28, %get3A_29] : memref<1x128xf32, #tpu.memory_space<vmem>>, vector<1x128xf32>
    %add3A_31 = vector.broadcast %get3A_30 : vector<1x128xf32> to vector<2000x128xf32>
    %add3A_32 = arith.addf %dot_general3A_27, %add3A_31 : vector<2000x128xf32>
    %max3A_33 = arith.constant 0.000000e+00 : f32
    %max3A_34 = vector.broadcast %max3A_33 : f32 to vector<2000x128xf32>
    %max3A_35 = arith.maximumf %add3A_32, %max3A_34 : vector<2000x128xf32>
    %get3A_36 = arith.constant 0 : index
    %get3A_37 = arith.constant 0 : index
    %get3A_38 = vector.load %arg8[%get3A_36, %get3A_37] : memref<128x128xf32, #tpu.memory_space<vmem>>, vector<128x128xf32>
    %dot_general3A_39 = arith.constant dense<0.000000e+00> : vector<2000x128xf32>
    %dot_general3A_40 = tpu.matmul %max3A_35, %get3A_38, %dot_general3A_39 {dimension_numbers = #tpu.dot_dimension_numbers<[1], [0], [0], [1], [0, 0, 1, 1], [], []>, transpose_lhs_hint = false} : vector<2000x128xf32>, vector<128x128xf32>, vector<2000x128xf32> -> vector<2000x128xf32>
    %get3A_41 = arith.constant 0 : index
    %get3A_42 = arith.constant 0 : index
    %get3A_43 = vector.load %arg9[%get3A_41, %get3A_42] : memref<1x128xf32, #tpu.memory_space<vmem>>, vector<1x128xf32>
    %add3A_44 = vector.broadcast %get3A_43 : vector<1x128xf32> to vector<2000x128xf32>
    %add3A_45 = arith.addf %dot_general3A_40, %add3A_44 : vector<2000x128xf32>
    %reduce_sum3A = arith.constant dense<0.000000e+00> : vector<2000xf32>
    %reduce_sum3A_46 = vector.multi_reduction <add>, %add3A_45, %reduce_sum3A [1] : vector<2000x128xf32> to vector<2000xf32>
    %broadcast_in_dim3A = vector.shape_cast %reduce_sum3A_46 : vector<2000xf32> to vector<2000x1xf32>
    %div3A = arith.constant 1.280000e+02 : f32
    %div3A_47 = vector.broadcast %div3A : f32 to vector<2000x1xf32>
    %div3A_48 = arith.divf %broadcast_in_dim3A, %div3A_47 : vector<2000x1xf32>
    %sub3A = vector.broadcast %div3A_48 : vector<2000x1xf32> to vector<2000x128xf32>
    %sub3A_49 = arith.subf %add3A_45, %sub3A : vector<2000x128xf32>
    %mul3A = arith.mulf %sub3A_49, %sub3A_49 : vector<2000x128xf32>
    %reduce_sum3A_50 = arith.constant dense<0.000000e+00> : vector<2000xf32>
    %reduce_sum3A_51 = vector.multi_reduction <add>, %mul3A, %reduce_sum3A_50 [1] : vector<2000x128xf32> to vector<2000xf32>
    %broadcast_in_dim3A_52 = vector.shape_cast %reduce_sum3A_51 : vector<2000xf32> to vector<2000x1xf32>
    %div3A_53 = arith.constant 1.280000e+02 : f32
    %div3A_54 = vector.broadcast %div3A_53 : f32 to vector<2000x1xf32>
    %div3A_55 = arith.divf %broadcast_in_dim3A_52, %div3A_54 : vector<2000x1xf32>
    %get3A_56 = arith.constant 0 : index
    %get3A_57 = arith.constant 0 : index
    %get3A_58 = vector.load %arg10[%get3A_56, %get3A_57] : memref<1x128xf32, #tpu.memory_space<vmem>>, vector<1x128xf32>
    %mul3A_59 = vector.broadcast %get3A_58 : vector<1x128xf32> to vector<2000x128xf32>
    %mul3A_60 = arith.mulf %mul3A_59, %sub3A_49 : vector<2000x128xf32>
    %add3A_61 = arith.constant 9.99999974E-6 : f32
    %add3A_62 = vector.broadcast %add3A_61 : f32 to vector<2000x1xf32>
    %add3A_63 = arith.addf %div3A_55, %add3A_62 : vector<2000x1xf32>
    %rsqrt3A = math.rsqrt %add3A_63 : vector<2000x1xf32>
    %mul3A_64 = vector.broadcast %rsqrt3A : vector<2000x1xf32> to vector<2000x128xf32>
    %mul3A_65 = arith.mulf %mul3A_60, %mul3A_64 : vector<2000x128xf32>
    %get3A_66 = arith.constant 0 : index
    %get3A_67 = arith.constant 0 : index
    %get3A_68 = vector.load %arg11[%get3A_66, %get3A_67] : memref<1x128xf32, #tpu.memory_space<vmem>>, vector<1x128xf32>
    %add3A_69 = vector.broadcast %get3A_68 : vector<1x128xf32> to vector<2000x128xf32>
    %add3A_70 = arith.addf %mul3A_65, %add3A_69 : vector<2000x128xf32>
    %add3A_71 = arith.addf %get3A_1, %add3A_70 : vector<2000x128xf32>
    %swap3A = arith.constant 0 : index
    %swap3A_72 = arith.constant 0 : index
    %swap3A_73 = vector.load %arg12[%swap3A, %swap3A_72] : memref<2000x128xf32, #tpu.memory_space<vmem>>, vector<2000x128xf32>
    tpu.vector_store %arg12[%swap3A, %swap3A_72], %add3A_71 {strides = array<i32>} : memref<2000x128xf32, #tpu.memory_space<vmem>>, vector<2000x128xf32>,
    return
  }
  func.func @transform_0(%arg0: i32) -> (i32, i32) {
    %c0_i32 = arith.constant 0 : i32
    %c0_i32_0 = arith.constant 0 : i32
    return %arg0, %c0_i32 : i32, i32
  }
  func.func @transform_1(%arg0: i32) -> (i32, i32) {
    %c0_i32 = arith.constant 0 : i32
    %c0_i32_0 = arith.constant 0 : i32
    return %arg0, %c0_i32 : i32, i32
  }
  func.func @transform_2(%arg0: i32) -> (i32, i32) {
    %add3A = arith.constant 5 : i32
    %add3A_0 = arith.addi %arg0, %add3A : i32
    %c0_i32 = arith.constant 0 : i32
    %c0_i32_1 = arith.constant 0 : i32
    return %add3A_0, %c0_i32 : i32, i32
  }
  func.func @transform_3(%arg0: i32) -> (i32, i32) {
    %c0_i32 = arith.constant 0 : i32
    %c0_i32_0 = arith.constant 0 : i32
    %c0_i32_1 = arith.constant 0 : i32
    return %c0_i32, %c0_i32_0 : i32, i32
  }
  func.func @transform_4(%arg0: i32) -> (i32, i32) {
    %c0_i32 = arith.constant 0 : i32
    %c0_i32_0 = arith.constant 0 : i32
    %c0_i32_1 = arith.constant 0 : i32
    return %c0_i32, %c0_i32_0 : i32, i32
  }
  func.func @transform_5(%arg0: i32) -> (i32, i32) {
    %c0_i32 = arith.constant 0 : i32
    %c0_i32_0 = arith.constant 0 : i32
    %c0_i32_1 = arith.constant 0 : i32
    return %c0_i32, %c0_i32_0 : i32, i32
  }
  func.func @transform_6(%arg0: i32) -> (i32, i32) {
    %c0_i32 = arith.constant 0 : i32
    %c0_i32_0 = arith.constant 0 : i32
    %c0_i32_1 = arith.constant 0 : i32
    return %c0_i32, %c0_i32_0 : i32, i32
  }
  func.func @transform_7(%arg0: i32) -> (i32, i32) {
    %c0_i32 = arith.constant 0 : i32
    %c0_i32_0 = arith.constant 0 : i32
    %c0_i32_1 = arith.constant 0 : i32
    return %c0_i32, %c0_i32_0 : i32, i32
  }
  func.func @transform_8(%arg0: i32) -> (i32, i32) {
    %c0_i32 = arith.constant 0 : i32
    %c0_i32_0 = arith.constant 0 : i32
    %c0_i32_1 = arith.constant 0 : i32
    return %c0_i32, %c0_i32_0 : i32, i32
  }
  func.func @transform_9(%arg0: i32) -> (i32, i32) {
    %c0_i32 = arith.constant 0 : i32
    %c0_i32_0 = arith.constant 0 : i32
    %c0_i32_1 = arith.constant 0 : i32
    return %c0_i32, %c0_i32_0 : i32, i32
  }
  func.func @transform_10(%arg0: i32) -> (i32, i32) {
    %c0_i32 = arith.constant 0 : i32
    %c0_i32_0 = arith.constant 0 : i32
    %c0_i32_1 = arith.constant 0 : i32
    return %c0_i32, %c0_i32_0 : i32, i32
  }
  func.func @transform_11(%arg0: i32) -> (i32, i32) {
    %c0_i32 = arith.constant 0 : i32
    %c0_i32_0 = arith.constant 0 : i32
    return %arg0, %c0_i32 : i32, i32
  }
}

</mosaic_0001>

<sc_bundles>
// kernel: kernel.10.cloned.1.call-start
scs
__scs_entry_jumppad:
0x0: {  	(pc) =	sbr.rel $0x88, $3  }
0x1: {  	(tag) =	ssettag $0x0;
	lr =	simm.s32 $0x1  }
0x2: {  	[smem:$0x3F8E] =	sst lr;
	_ =	strace $0xD0000000  }
0x3: {  	_ = 	snop  }
0x4: {  	_ = 	snop  }
0x5: {  	_ = 	snop  }
0x6: {  	_ = 	snop  }
0x7: {  	_ = 	snop  }
__scs_overlays_trampoline_lowered:
0x8: {  	[smem:$0x3F9D] =	sst s0  }
0x9: {  	[smem:$0x3F9E] =	sst s1  }
0xa: {  	[smem:$0x3F9F] =	sst s2  }
0xb: {  	[smem:$0x3FA0] =	sst s3  }
0xc: {  	[smem:$0x3FA1] =	sst s4  }
0xd: {  	[smem:$0x3FA2] =	sst s5  }
0xe: {  	[smem:$0x3FA3] =	sst s6  }
0xf: {  	[smem:$0x3FA4] =	sst s7  }
0x10: {  	[smem:$0x3FA5] =	sst s8  }
0x11: {  	[smem:$0x3FA6] =	sst s9;
	s0 =	simm.s32 @!p0 $0x0  }
0x12: {  	s1 =	sld [smem:$0x3F8C];
	s0 =	simm.s32 @p0 $0x1  }
0x13: {  	[smem:$0x3FA7] =	sst s0;
	s0 =	simm.s32 @!p1 $0x0  }
0x14: {  	s2 =	sld [smem:$0x3F8B];
	s0 =	simm.s32 @p1 $0x1  }
0x15: {  	[smem:$0x3FA8] =	sst s0;
	s0 =	simm.s32 @!p2 $0x0  }
0x16: {  	s3 =	sld [smem:$0x3FDB];
	s0 =	simm.s32 @p2 $0x1  }
0x17: {  	s4 =	simm.s32 $0x1BF5;
	[smem:$0x3FAA] =	sst s0  }
0x18: {  	s0 =	sld [smem:$0x3F8D];
	_ =	swait.ge [sflag:s4], $0x0  }
0x19: {  	s7 =	sld [smem:$0x3F8E]  }
0x1a: {  	s8 =	sadd.s32 $0xFFFFE003, lr  }
0x1b: {  	s9 =	sadd.s32 $0xFFFFFEF7, lr;
	s5 =	simm.s32 $0xFFFFFFFF;
	p2 =	slt.u32 s8, $0xFFFFF086  }
0x1c: {  	p1 =	slt.u32 s9, $0xF7A;
	s5 =	simm.s32 @!p2 $0x0  }
0x1d: {  	s5 =	simm.s32 @p1 $0x1;
	p0 =	seq.s32 s7, s2  }
0x1e: {  	s7 =	smul.u32 @!p0 $0xF7A, s2;
	p2 =	seq.s32 @!p0 s5, $0x0  }
0x1f: {  	s9 =	smul.u32 $0xF7A, s1;
	s8 =	simm.s32 @!p0 $0x1BF5;
	p2 =	por !p2, p0  }
0x20: {  	[sflag:s8] =	ssyncset.s32 @!p0 $0xFFFFF086;
	s6 =	sadd.s32 @!p0 s3, s7;
	s7 =	simm.s32 @!p0 $0x108  }
0x21: {  	s3 =	sadd.s32 s3, s9;
	s6 =	sadd.s32 @!p0 $0x88, s6;
	s7 =	simm.s32 @p2 $0x1082  }
0x22: {  	[simem:s7], [sflag:s8] =	dma.local @!p0 [hbm:s6], $0xF7A  }
0x23: {  	s9 =	sor.u32 $0xD0000000, s2;
	s6 =	simm.s32 $0x108;
	_ =	swait.ge @!p0 [sflag:s8], $0x0  }
0x24: {  	s3 =	sadd.s32 $0x88, s3;
	s6 =	simm.s32 @!p1 $0x1082;
	[sflag:s4] =	ssyncset.s32 $0xFFFFF086  }
0x25: {  	[simem:s6], [sflag:s4] =	dma.local [hbm:s3], $0xF7A  }
0x26: {  	[smem:$0x3F8E] =	sst s1;
	(tag) =	ssettag s2;
	_ =	strace s9  }
0x27: {  	s1 =	sld [smem:$0x3F9E]  }
0x28: {  	s2 =	sld [smem:$0x3F9F]  }
0x29: {  	s4 =	sld [smem:$0x3FA1]  }
0x2a: {  	p0 =	seq.s32 s5, $0x0;
	s5 =	sld [smem:$0x3FA2]  }
0x2b: {  	s6 =	sld [smem:$0x3FA3]  }
0x2c: {  	s7 =	sld [smem:$0x3FA4]  }
0x2d: {  	s3 =	simm.s32 $0x108;
	s8 =	sld [smem:$0x3FA5]  }
0x2e: {  	s3 =	simm.s32 @!p0 $0x1082;
	s9 =	sld [smem:$0x3FA6]  }
0x2f: {  	lr =	sadd.s32 s0, s3;
	s0 =	sld [smem:$0x3F9D]  }
0x30: {  	s3 =	sld [smem:$0x3FA0]  }
0x31: {  	[smem:$0x3FA9] =	sst s10  }
0x32: {  	s10 =	sld [smem:$0x3FA7];
	_ =	sdelay $0x3  }
0x33: {  	p0 =	seq.s32 s10, $0x1;
	s10 =	sld [smem:$0x3FA9];
	_ =	sdelay $0x3  }
0x34: {  	[smem:$0x3FA9] =	sst s10  }
0x35: {  	s10 =	sld [smem:$0x3FA8];
	_ =	sdelay $0x3  }
0x36: {  	p1 =	seq.s32 s10, $0x1;
	s10 =	sld [smem:$0x3FA9];
	_ =	sdelay $0x3  }
0x37: {  	[smem:$0x3FA9] =	sst s10  }
0x38: {  	s10 =	sld [smem:$0x3FAA]  }
0x39: {  	_ = 	snop;
	(pc) =	sbr.ind lr, $3  }
0x3a: {  	_ = 	snop  }
0x3b: {  	_ = 	snop  }
0x3c: {  	p2 =	seq.s32 s10, $0x1;
	s10 =	sld [smem:$0x3FA9]  }
0x3d: {  	_ =	shalt  }
0x3e: {  	_ =	shalt  }
0x3f: {  	_ =	shalt  }
0x40: {  	_ =	shalt  }
0x41: {  	_ =	shalt  }
0x42: {  	_ =	shalt  }
0x43: {  	_ =	shalt  }
0x44: {  	_ =	shalt  }
0x45: {  	_ =	shalt  }
0x46: {  	_ =	shalt  }
0x47: {  	_ =	shalt  }
0x48: {  	_ =	shalt  }
0x49: {  	_ =	shalt  }
0x4a: {  	_ =	shalt  }
0x4b: {  	_ =	shalt  }
0x4c: {  	_ =	shalt  }
0x4d: {  	_ =	shalt  }
0x4e: {  	_ =	shalt  }
0x4f: {  	_ =	shalt  }
0x50: {  	_ =	shalt  }
0x51: {  	_ =	shalt  }
0x52: {  	_ =	shalt  }
0x53: {  	_ =	shalt  }
0x54: {  	_ =	shalt  }
0x55: {  	_ =	shalt  }
0x56: {  	_ =	shalt  }
0x57: {  	_ =	shalt  }
0x58: {  	_ =	shalt  }
0x59: {  	_ =	shalt  }
0x5a: {  	_ =	shalt  }
0x5b: {  	_ =	shalt  }
0x5c: {  	_ =	shalt  }
0x5d: {  	_ =	shalt  }
0x5e: {  	_ =	shalt  }
0x5f: {  	_ =	shalt  }
0x60: {  	_ =	shalt  }
0x61: {  	_ =	shalt  }
0x62: {  	_ =	shalt  }
0x63: {  	_ =	shalt  }
0x64: {  	_ =	shalt  }
0x65: {  	_ =	shalt  }
0x66: {  	_ =	shalt  }
0x67: {  	_ =	shalt  }
0x68: {  	_ =	shalt  }
0x69: {  	_ =	shalt  }
0x6a: {  	_ =	shalt  }
0x6b: {  	_ =	shalt  }
0x6c: {  	_ =	shalt  }
0x6d: {  	_ =	shalt  }
0x6e: {  	_ =	shalt  }
0x6f: {  	_ =	shalt  }
0x70: {  	_ =	shalt  }
0x71: {  	_ =	shalt  }
0x72: {  	_ =	shalt  }
0x73: {  	_ =	shalt  }
0x74: {  	_ =	shalt  }
0x75: {  	_ =	shalt  }
0x76: {  	_ =	shalt  }
0x77: {  	_ =	shalt  }
0x78: {  	_ =	shalt  }
0x79: {  	_ =	shalt  }
0x7a: {  	_ =	shalt  }
0x7b: {  	_ =	shalt  }
0x7c: {  	_ =	shalt  }
0x7d: {  	_ =	shalt  }
0x7e: {  	_ =	shalt  }
0x7f: {  	_ =	shalt  }
0x80: {  	_ =	shalt  }
0x81: {  	_ =	shalt  }
0x82: {  	_ =	shalt  }
0x83: {  	_ =	shalt  }
0x84: {  	_ =	shalt  }
0x85: {  	_ =	shalt  }
0x86: {  	_ =	shalt  }
0x87: {  	_ =	shalt  }
.Lfunc_end0:
.L_simem_size_0:
called_computation.1_lowered:
.L_overlay_start_0:
0x88: {  	s2 =	sld [smem:$0x3FD9]  }
0x89: {  	s3 =	sld [smem:$0x3FFE];
	_ =	sdelay $0x1  }
0x8a: {  	s1 =	srdreg.scid  }
0x8b: {  	s0 =	sand.u32 $0x1, s1  }
0x8c: {  	s14 =	sshll.u32 s0, $0xA;
	s2 =	sadd.s32 s3, s2  }
0x8d: {  	s2 =	sadd.s32 s2, s14  }
0x8e: {  	[smem:$0x3FB5] =	sst s2  }
0x8f: {  	_ = 	snop  }
0x90: {  	s2 =	sld [smem:$0x3FD0];
	_ =	sdelay $0x2  }
0x91: {  	s15 =	simm.s32 $0xA;
	s4 =	simm.s32 $0x10  }
0x92: {  	[smem:s4], [sflag:s15] =	dma.local [hbm:s2], $0x1  }
0x93: {  	_ =	swait.eq [sflag:s15], $0x1  }
0x94: {  	[sflag:s15] =	ssyncset.done $0x0  }
0x95: {  	[sflag:s15] =	ssyncadd.s32 $0xFFFFFFFF  }
0x96: {  	s16 =	sld [smem:$0x10];
	(tm) =	ssettm $0x1  }
0x97: {  	s17 =	sld [smem:$0x3FFB];
	_ =	sdelay $0x3  }
0x98: {  	_ =	strace s17  }
0x99: {  	s3 =	sld [smem:$0x3FFC];
	_ =	sdelay $0x3  }
0x9a: {  	_ =	strace s3  }
0x9b: {  	s3 =	sld [smem:$0x3FFD];
	_ =	sdelay $0x3  }
0x9c: {  	_ =	strace s3  }
0x9d: {  	_ =	strace $0x8FFFFFFF  }
0x9e: {  	s18 =	sld [smem:$0x3FDB];
	_ =	sdelay $0x1  }
0x9f: {  	s19 =	simm.s32 $_scs_section_size  }
0xa0: {  	s5 =	simm.s32 $_size__tile_overlayer_lowered;
	s6 =	simm.s32 $_tile_overlayer_lowered  }
0xa1: {  	s22 =	simm.s32 $0x1BFF;
	s21 =	sshll.u32 s6, $0x1;
	s3 =	sadd.s32 s19, s18  }
0xa2: {  	s7 =	simm.s32 $0x0;
	s20 =	sshll.u32 s5, $0x1;
	s5 =	sadd.s32 s21, s3  }
0xa3: {  	[timem:s7], [sflag:s22] =	dma.local [hbm:s5], s20  }
0xa4: {  	_ =	swait.ge [sflag:s22], s20  }
0xa5: {  	s4 =	ssub.s32 $0x0, s20;
	[sflag:s22] =	ssyncset.done $0x0  }
0xa6: {  	[sflag:s22] =	ssyncadd.s32 s4;
	_ =	sdelay $0x1  }
0xa7: {  	s23 =	simm.s32 $0x1B8B  }
0xa8: {  	_ =	swait.ge [sflag:s23], $0x1  }
0xa9: {  	[sflag:s23] =	ssyncset.done $0x0  }
0xaa: {  	s25 =	simm.s32 $0x1B8E;
	s24 =	sld [smem:$0x3FFE];
	[sflag:s23] =	ssyncadd.s32 $0xFFFFFFFF  }
0xab: {  	s26 =	simm.s32 $execute0_lowered;
	[smem:$0x3FD2] =	sst s25  }
0xac: {  	s5 =	sshll.u32 s26, $0x1;
	_ =	strace $0x80000049;
	[dreg:$0x1] =	wrdreg $0xFFFFFFFF  }
0xad: {  	s28 =	simm.s32 $_size_execute0_lowered;
	s3 =	sadd.s32 s3, s5;
	[dreg:$0x0] =	wrdreg $0x0  }
0xae: {  	s5 =	sshll.u32 s28, $0x1;
	[dreg:$0x2] =	wrdreg s3  }
0xaf: {  	[dreg:$0x3] =	wrdreg s5  }
0xb0: {  	[dreg:$0x4] =	wrdreg $0xC0  }
0xb1: {  	_ =	task [dreg:s7], $0x5FFFF  }
0xb2: {  	[dreg:$0x1] =	wrdreg $0xFFFFFFFF  }
0xb3: {  	[dreg:$0x0] =	wrdreg $0x60  }
0xb4: {  	[dreg:$0x2] =	wrdreg s24  }
0xb5: {  	[dreg:$0x3] =	wrdreg s16  }
0xb6: {  	[dreg:$0x4] =	wrdreg $0x51000  }
0xb7: {  	[dreg:$0x5] =	wrdreg $0x9  }
0xb8: {  	_ =	task.clear_ibuf [dreg:s7], $0x6FFFF;
	_ =	strace $0x90000049  }
0xb9: {  	s29 =	simm.s32 $0x9;
	_ =	strace $0x8000004B  }
0xba: {  	_ =	swait.ge [sflag:s29], $0x1  }
0xbb: {  	[sflag:s29] =	ssyncadd.s32 $0xFFFFFFFF  }
0xbc: {  	_ =	strace $0x9000004B  }
0xbd: {  	_ =	sfence  }
0xbe: {  	s30 =	sld [smem:$0x0];
	_ =	sdelay $0x2  }
0xbf: {  	s31 =	sshll.u32 s1, $0xD;
	s1 =	sshrl.u32 s1, $0x2  }
0xc0: {  	s3 =	sand.u32 $0x4000, s31;
	s1 =	sadd.s32 s1, s30  }
0xc1: {  	s0 =	sor.u32 s3, s0;
	s1 =	sshll.u32 s1, $0x11  }
0xc2: {  	s0 =	sor.u32 s1, s0  }
0xc3: {  	s0 =	sadd.s32 $0x8F2B, s0  }
0xc4: {  	[sflag:s0] =	ssyncadd.remote.s32 $0x1  }
0xc5: {  	_ =	sfence.sel $0xFFFF  }
0xc6: {  	[dreg:$0x0] =	wrdreg $0xFFFFFFFF;
	(pc) =	sbr.abs _section_cstart, $3  }
0xc7: {  	[dreg:$0x1] =	wrdreg $0xFFFFFFFF  }
0xc8: {  	_ =	task.clear_ibuf [dreg:s7], $0x2FFFF;
	_ =	strace $0x9FFFFFFF  }
0xc9: {  	(tm) =	ssettm $0x7FFFFFFF  }
tec
execute0_lowered:
.L_overlay_start_1:
0x0: {  	(tag) =	ssettag $0x1  }
0x1: {  	s6 =	rddreg [dreg:$0x0]  }
0x2: {  	s2 =	rddreg [dreg:$0x1]  }
0x3: {  	s3 =	rddreg [dreg:$0x2]  }
0x4: {  	s5 =	srdreg.scid;
	s1 =	stileid.u32  }
0x5: {  	s4 =	simm.s32 $0x0;
	s10 =	sand.u32 $0x1, s5;
	s11 =	smul.u32 $0x2800, s1  }
0x6: {  	s20 =	sshll.u32 s1, $0x1;
	[smem:$0x7FF] =	sst s4;
	s13 =	smul.u32 $0x50000, s1  }
0x7: {  	s12 =	sadd.s32 $0x4F8A00, s6;
	s5 =	sadd.s32 $0xCC00, s6;
	s18 =	smul.u32 $0x4E200, s1  }
0x8: {  	s14 =	sadd.s32 $0x16A00, s6;
	s25 =	sshll.u32 s1, $0x6;
	s26 =	smul.u32 $0x4E20, s1  }
0x9: {  	s24 =	sadd.s32 $0x12C000, s3;
	p0 =	seq.s32 s1, $0xF;
	s23 =	smul.u32 $0x27100, s10  }
0xa: {  	s7 =	sor.u32 s10, s20;
	_ =	strace $0x8000004A;
	s17 =	smul.u32 $0x138800, s10  }
0xb: {  	s9 =	ssub.s32 $0x2, s10;
	s19 =	smul.u32 $0x2710, s10;
	s20 =	simm.s32 $0x2900  }
0xc: {  	s24 =	sshrl.u32 @p0 s24, $0x3;
	s8 =	smul.u32 $0x2710, s7;
	s21 =	sshrl.u32 s9, $0x1  }
0xd: {  	s15 =	smul.u32 $0x27100, s7;
	s22 =	sshrl.u32 s13, $0x2;
	s7 =	sor.u32 $0x1C03, s25  }
0xe: {  	s29 =	sadd.s32 s18, s12;
	s18 =	simm.s32 $0x100;
	s25 =	simm.s32 $0x0  }
0xf: {  	s16 =	ssub.s32 s9, s21;
	s6 =	sadd.s32 s22, s3;
	s11 =	sadd.s32 s11, s23  }
0x10: {  	s17 =	sshrl.u32 s17, $0x3;
	s13 =	sadd.s32 s23, s29;
	s21 =	simm.s32 $0x1  }
0x11: {  	s22 =	simm.s32 $0x50;
	s23 =	simm.s32 $0x2;
	s8 =	sshrl.u32 s8, $0x3  }
0x12: {  	s9 =	sadd.s32 s12, s15;
	s10 =	sadd.s32 s14, s11;
	s28 =	sadd.s32 s14, s17  }
0x13: {  	s15 =	sadd.s32 s19, s26;
	s12 =	smax.u32 s16, $0x1;
	s13 =	sadd.s32 $0xA00, s13  }
0x14: {  	s16 =	sshrl.u32 s6, $0x3;
	s17 =	simm.s32 $0x3;
	s30 =	sadd.s32 $0x50, s15  }
0x15: {  	s19 =	simm.s32 $0x80;
	s8 =	sadd.s32 s5, s8;
	s31 =	sshrl.u32 s30, $0x3  }
0x16: {  	s11 =	sadd.s32 $0x25800, s28;
	s14 =	sadd.s32 $0xA0, s15;
	s15 =	sadd.s32 s31, s5  }
.LBB2_1:
0x17: {  	[spmem:s16], [sflag:s7] =	dma.local [hbm:s2], $0x2800  }
0x18: {  	_ =	swait.ge [sflag:s17], $0x2800  }
0x19: {  	[sflag:s17] =	ssyncset.done $0x0  }
0x1a: {  	[sflag:s17] =	ssyncadd.s32 $0xFFFFD800  }
0x1b: {  	[bflag:$0x0] =	sbarrier.arrive $0xFFFF  }
0x1c: {  	[tilespmem:s4], [sflag:$0x3] =	stream.linear.gather [hbm4b:s8+s4], $0x50, $0x38;
	[tilespmem:$0x19100] =	vst v63  }
0x1d: {  	_ =	swait.ge [sflag:s17], $0x50  }
0x1e: {  	[sflag:s17] =	ssyncset.done $0x0  }
0x1f: {  	[sflag:s17] =	ssyncadd.s32 $0xFFFFFFB0  }
0x20: {  	[tilespmem:s18], [sflag:$0x1] =	stream.linear.gather [hbm4b:s9+s4], $0x2800, $0x38;
	[tilespmem:$0x19100] =	vst v63  }
0x21: {  	s26 =	sadd.s32 $0x0, s15  }
0x22: {  	[tilespmem:s19], [sflag:$0x3] =	stream.linear.gather [hbm4b:s26+s4], $0x50, $0x38;
	[tilespmem:$0x19100] =	vst v63  }
0x23: {  	_ =	swait.ge [sflag:s17], $0x50  }
0x24: {  	[sflag:s17] =	ssyncset.done $0x0  }
0x25: {  	s0 =	sadd.s32 $0xFFFFFB00, s13;
	[sflag:s17] =	ssyncadd.s32 $0xFFFFFFB0  }
0x26: {  	[tilespmem:s20], [sflag:$0x2] =	stream.linear.gather [hbm4b:s0+s4], $0x2800, $0x38;
	[tilespmem:$0x19100] =	vst v63  }
0x27: {  	_ =	swait.ge [sflag:s21], $0x2800  }
0x28: {  	[sflag:s21] =	ssyncset.done $0x0  }
0x29: {  	[sflag:s21] =	ssyncadd.s32 $0xFFFFD800  }
0x2a: {  	[spmem:s3] =	stream.indirect.scatter.add.f32 [tilespmem:s18], [sflag:$0x3], $0x80, s4, s22, $0xb8;
	[tilespmem:$0x19100] =	vst v63  }
0x2b: {  	_ =	swait.ge [sflag:s17], $0x2800  }
0x2c: {  	s31 =	sshrl.u32 s14, $0x3;
	[sflag:s17] =	ssyncset.done $0x0  }
0x2d: {  	s26 =	sadd.s32 s5, s31;
	[sflag:s17] =	ssyncadd.s32 $0xFFFFD800  }
0x2e: {  	[tilespmem:s4], [sflag:$0x3] =	stream.linear.gather [hbm4b:s26+s4], $0x50, $0x38;
	[tilespmem:$0x19100] =	vst v63  }
0x2f: {  	_ =	swait.ge [sflag:s17], $0x50  }
0x30: {  	[sflag:s17] =	ssyncset.done $0x0  }
0x31: {  	[sflag:s17] =	ssyncadd.s32 $0xFFFFFFB0  }
0x32: {  	[tilespmem:s18], [sflag:$0x1] =	stream.linear.gather [hbm4b:s13+s4], $0x2800, $0x38;
	[tilespmem:$0x19100] =	vst v63  }
0x33: {  	_ =	swait.ge [sflag:s23], $0x2800  }
0x34: {  	[sflag:s23] =	ssyncset.done $0x0  }
0x35: {  	[sflag:s23] =	ssyncadd.s32 $0xFFFFD800  }
0x36: {  	[spmem:s3] =	stream.indirect.scatter.add.f32 [tilespmem:s20], [sflag:$0x3], $0x80, s19, s22, $0xb8;
	[tilespmem:$0x19100] =	vst v63  }
0x37: {  	s29 =	simm.s32 $0x14;
	s30 =	simm.s32 $0x28;
	_ =	swait.ge [sflag:s17], $0x2800  }
0x38: {  	s28 =	sadd.s32 $0xA0, s14;
	s26 =	sadd.s32 $0xA00, s13;
	[sflag:s17] =	ssyncset.done $0x0  }
.LBB2_2:
0x39: {  	s31 =	sadd.s32 s29, s15  }
0x3a: {  	[sflag:s17] =	ssyncadd.s32 $0xFFFFD800;
	s29 =	smov.u32 s30;
	s0 =	sadd.s32 $0x14, s30  }
0x3b: {  	[tilespmem:s19], [sflag:$0x3] =	stream.linear.gather [hbm4b:s31+s4], $0x50, $0x38;
	[tilespmem:$0x19100] =	vst v63  }
0x3c: {  	p1 =	sne.s32 s30, $0x4C4;
	_ =	swait.ge [sflag:s17], $0x50  }
0x3d: {  	[sflag:s17] =	ssyncset.done $0x0  }
0x3e: {  	s30 =	sadd.s32 $0xFFFFFB00, s26;
	[sflag:s17] =	ssyncadd.s32 $0xFFFFFFB0  }
0x3f: {  	[tilespmem:s20], [sflag:$0x2] =	stream.linear.gather [hbm4b:s30+s4], $0x2800, $0x38;
	[tilespmem:$0x19100] =	vst v63  }
0x40: {  	_ =	swait.ge [sflag:s21], $0x2800  }
0x41: {  	[sflag:s21] =	ssyncset.done $0x0  }
0x42: {  	[sflag:s21] =	ssyncadd.s32 $0xFFFFD800  }
0x43: {  	[spmem:s3] =	stream.indirect.scatter.add.f32 [tilespmem:s18], [sflag:$0x3], $0x80, s4, s22, $0xb8;
	[tilespmem:$0x19100] =	vst v63  }
0x44: {  	_ =	swait.ge [sflag:s17], $0x2800  }
0x45: {  	s30 =	sshrl.u32 s28, $0x3;
	[sflag:s17] =	ssyncset.done $0x0  }
0x46: {  	s30 =	sadd.s32 s5, s30;
	[sflag:s17] =	ssyncadd.s32 $0xFFFFD800  }
0x47: {  	[tilespmem:s4], [sflag:$0x3] =	stream.linear.gather [hbm4b:s30+s4], $0x50, $0x38;
	[tilespmem:$0x19100] =	vst v63  }
0x48: {  	_ =	swait.ge [sflag:s17], $0x50  }
0x49: {  	[sflag:s17] =	ssyncset.done $0x0  }
0x4a: {  	[sflag:s17] =	ssyncadd.s32 $0xFFFFFFB0  }
0x4b: {  	[tilespmem:s18], [sflag:$0x1] =	stream.linear.gather [hbm4b:s26+s4], $0x2800, $0x38;
	[tilespmem:$0x19100] =	vst v63  }
0x4c: {  	_ =	swait.ge [sflag:s23], $0x2800  }
.Ltmp0:
0x4d: {  	[sflag:s23] =	ssyncset.done $0x0;
	(pc) =	sbr.rel @p1 .LBB2_2-.Ltmp0, $4  }
0x4e: {  	[sflag:s23] =	ssyncadd.s32 $0xFFFFD800  }
0x4f: {  	[spmem:s3] =	stream.indirect.scatter.add.f32 [tilespmem:s20], [sflag:$0x3], $0x80, s19, s22, $0xb8;
	[tilespmem:$0x19100] =	vst v63  }
0x50: {  	s28 =	sadd.s32 $0xA0, s28;
	_ =	swait.ge [sflag:s17], $0x2800  }
0x51: {  	s30 =	smov.u32 s0;
	s26 =	sadd.s32 $0xA00, s26;
	[sflag:s17] =	ssyncset.done $0x0  }
0x52: {  	s0 =	sadd.s32 s29, s15;
	[sflag:s17] =	ssyncadd.s32 $0xFFFFD800  }
0x53: {  	[tilespmem:s19], [sflag:$0x3] =	stream.linear.gather [hbm4b:s0+s4], $0x50, $0x38;
	[tilespmem:$0x19100] =	vst v63  }
0x54: {  	_ =	swait.ge [sflag:s17], $0x50  }
0x55: {  	[sflag:s17] =	ssyncset.done $0x0  }
0x56: {  	s30 =	sadd.s32 $0xFFFFFB00, s26;
	[sflag:s17] =	ssyncadd.s32 $0xFFFFFFB0  }
0x57: {  	[tilespmem:s20], [sflag:$0x2] =	stream.linear.gather [hbm4b:s30+s4], $0x2800, $0x38;
	[tilespmem:$0x19100] =	vst v63  }
0x58: {  	_ =	swait.ge [sflag:s21], $0x2800  }
0x59: {  	[sflag:s21] =	ssyncset.done $0x0  }
0x5a: {  	[sflag:s21] =	ssyncadd.s32 $0xFFFFD800  }
0x5b: {  	[spmem:s3] =	stream.indirect.scatter.add.f32 [tilespmem:s18], [sflag:$0x3], $0x80, s4, s22, $0xb8;
	[tilespmem:$0x19100] =	vst v63  }
0x5c: {  	_ =	swait.ge [sflag:s17], $0x2800  }
0x5d: {  	s31 =	sshrl.u32 s28, $0x3;
	[sflag:s17] =	ssyncset.done $0x0  }
0x5e: {  	s0 =	sadd.s32 s5, s31;
	[sflag:s17] =	ssyncadd.s32 $0xFFFFD800  }
0x5f: {  	[tilespmem:s4], [sflag:$0x3] =	stream.linear.gather [hbm4b:s0+s4], $0x50, $0x38;
	[tilespmem:$0x19100] =	vst v63  }
0x60: {  	_ =	swait.ge [sflag:s17], $0x50  }
0x61: {  	[sflag:s17] =	ssyncset.done $0x0  }
0x62: {  	[sflag:s17] =	ssyncadd.s32 $0xFFFFFFB0  }
0x63: {  	[tilespmem:s18], [sflag:$0x1] =	stream.linear.gather [hbm4b:s26+s4], $0x2800, $0x38;
	[tilespmem:$0x19100] =	vst v63  }
0x64: {  	_ =	swait.ge [sflag:s23], $0x2800  }
0x65: {  	[sflag:s23] =	ssyncset.done $0x0  }
0x66: {  	[sflag:s23] =	ssyncadd.s32 $0xFFFFD800  }
0x67: {  	[spmem:s3] =	stream.indirect.scatter.add.f32 [tilespmem:s20], [sflag:$0x3], $0x80, s19, s22, $0xb8;
	[tilespmem:$0x19100] =	vst v63  }
0x68: {  	_ =	swait.ge [sflag:s17], $0x2800  }
0x69: {  	[sflag:s17] =	ssyncset.done $0x0  }
0x6a: {  	[sflag:s17] =	ssyncadd.s32 $0xFFFFD800  }
0x6b: {  	_ =	swait.ge [sflag:s21], $0x2800  }
0x6c: {  	[sflag:s21] =	ssyncset.done $0x0  }
0x6d: {  	[sflag:s21] =	ssyncadd.s32 $0xFFFFD800  }
0x6e: {  	[spmem:s3] =	stream.indirect.scatter.add.f32 [tilespmem:s18], [sflag:$0x3], $0x80, s4, s22, $0xb8;
	[tilespmem:$0x19100] =	vst v63  }
0x6f: {  	_ =	swait.ge [sflag:s17], $0x2800  }
0x70: {  	[sflag:s17] =	ssyncset.done $0x0  }
0x71: {  	[sflag:s17] =	ssyncadd.s32 $0xFFFFD800  }
0x72: {  	s0 =	simm.s32 @p0 $0x3;
	[bflag:$0x0] =	sbarrier.arrive $0xFFFF  }
0x73: {  	[hbm:s11], [sflag:s7] =	dma.local @p0 [spmem:s24], $0x1900  }
0x74: {  	_ =	swait.ge @p0 [sflag:s0], $0x1900  }
0x75: {  	s25 =	sadd.s32 $0x1, s25;
	[sflag:s0] =	ssyncset.done @p0 $0x0  }
0x76: {  	p1 =	sne.s32 s25, s12;
	[sflag:s0] =	ssyncadd.s32 @p0 $0xFFFFE700;
	s0 =	sshrl.u32 @!p0 s6, $0x3  }
0x77: {  	[hbm:s10], [sflag:s7] =	dma.local @!p0 [spmem:s0], $0x2800  }
.Ltmp1:
0x78: {  	_ = 	snop;
	(pc) =	sbr.rel @p1 .LBB2_1-.Ltmp1, $4  }
0x79: {  	s0 =	simm.s32 @!p0 $0x3  }
0x7a: {  	_ =	swait.ge @!p0 [sflag:s0], $0x2800  }
0x7b: {  	[sflag:s0] =	ssyncset.done @!p0 $0x0  }
0x7c: {  	[sflag:s0] =	ssyncadd.s32 @!p0 $0xFFFFD800  }
0x7d: {  	_ =	sfence.sel $0x180000  }
0x7e: {  	[bflag:$0x0] =	sbarrier.arrive $0xFFFF  }
0x7f: {  	_ =	strace $0x9000004A  }
0x80: {  	[bflag:$0x2] =	sbarrier.arrive $0xFFFF  }
0x81: {  	p0 =	sne.s32 s1, $0x0;
	s0 =	rddreg [dreg:$0x3]  }
0x82: {  	s0 =	sadd.s32 @!p0 $0x100000, s0  }
0x83: {  	[sflag:s0] =	ssyncadd.tile.s32 @!p0 $0x1;
	_ =	shalt  }
.Lfunc_end2:
_tile_overlayer_lowered:
.L_overlay_start_2:
0x84: {  	(tag) =	ssettag $0x2  }
0x85: {  	s0 =	rddreg [dreg:$0x0];
	s2 =	stileid.u32  }
0x86: {  	s1 =	rddreg [dreg:$0x1];
	p0 =	sne.s32 s2, $0x0  }
0x87: {  	s3 =	rddreg [dreg:$0x2];
	[bflag:$0x3] =	sbarrier.arrive $0xFFFF;
	s2 =	simm.s32 @!p0 $0x1C03  }
0x88: {  	[timem:s3], [sflag:s2] =	dma.local @!p0 [hbm:s0], s1  }
0x89: {  	s0 =	simm.s32 @!p0 $0x3  }
0x8a: {  	_ =	swait.ge @!p0 [sflag:s0], s1  }
0x8b: {  	s1 =	ssub.s32 @!p0 $0x0, s1;
	[sflag:s0] =	ssyncset.done @!p0 $0x0  }
0x8c: {  	[sflag:s0] =	ssyncadd.s32 @!p0 s1  }
0x8d: {  	[bflag:$0x3] =	sbarrier.arrive $0xFFFF  }
0x8e: {  	_ =	shalt  }

// kernel: kernel.7.cloned.1.call-start
scs
__scs_entry_jumppad:
0x0: {  	(pc) =	sbr.rel $0x88, $3  }
0x1: {  	(tag) =	ssettag $0x0;
	lr =	simm.s32 $0x1  }
0x2: {  	[smem:$0x3F8E] =	sst lr;
	_ =	strace $0xD0000000  }
0x3: {  	_ = 	snop  }
0x4: {  	_ = 	snop  }
0x5: {  	_ = 	snop  }
0x6: {  	_ = 	snop  }
0x7: {  	_ = 	snop  }
__scs_overlays_trampoline_lowered:
0x8: {  	[smem:$0x3F9D] =	sst s0  }
0x9: {  	[smem:$0x3F9E] =	sst s1  }
0xa: {  	[smem:$0x3F9F] =	sst s2  }
0xb: {  	[smem:$0x3FA0] =	sst s3  }
0xc: {  	[smem:$0x3FA1] =	sst s4  }
0xd: {  	[smem:$0x3FA2] =	sst s5  }
0xe: {  	[smem:$0x3FA3] =	sst s6  }
0xf: {  	[smem:$0x3FA4] =	sst s7  }
0x10: {  	[smem:$0x3FA5] =	sst s8  }
0x11: {  	[smem:$0x3FA6] =	sst s9;
	s0 =	simm.s32 @!p0 $0x0  }
0x12: {  	s1 =	sld [smem:$0x3F8C];
	s0 =	simm.s32 @p0 $0x1  }
0x13: {  	[smem:$0x3FA7] =	sst s0;
	s0 =	simm.s32 @!p1 $0x0  }
0x14: {  	s2 =	sld [smem:$0x3F8B];
	s0 =	simm.s32 @p1 $0x1  }
0x15: {  	[smem:$0x3FA8] =	sst s0;
	s0 =	simm.s32 @!p2 $0x0  }
0x16: {  	s3 =	sld [smem:$0x3FDB];
	s0 =	simm.s32 @p2 $0x1  }
0x17: {  	s4 =	simm.s32 $0x1BF5;
	[smem:$0x3FAA] =	sst s0  }
0x18: {  	s0 =	sld [smem:$0x3F8D];
	_ =	swait.ge [sflag:s4], $0x0  }
0x19: {  	s7 =	sld [smem:$0x3F8E]  }
0x1a: {  	s8 =	sadd.s32 $0xFFFFE003, lr  }
0x1b: {  	s9 =	sadd.s32 $0xFFFFFEF7, lr;
	s5 =	simm.s32 $0xFFFFFFFF;
	p2 =	slt.u32 s8, $0xFFFFF086  }
0x1c: {  	p1 =	slt.u32 s9, $0xF7A;
	s5 =	simm.s32 @!p2 $0x0  }
0x1d: {  	s5 =	simm.s32 @p1 $0x1;
	p0 =	seq.s32 s7, s2  }
0x1e: {  	s7 =	smul.u32 @!p0 $0xF7A, s2;
	p2 =	seq.s32 @!p0 s5, $0x0  }
0x1f: {  	s9 =	smul.u32 $0xF7A, s1;
	s8 =	simm.s32 @!p0 $0x1BF5;
	p2 =	por !p2, p0  }
0x20: {  	[sflag:s8] =	ssyncset.s32 @!p0 $0xFFFFF086;
	s6 =	sadd.s32 @!p0 s3, s7;
	s7 =	simm.s32 @!p0 $0x108  }
0x21: {  	s3 =	sadd.s32 s3, s9;
	s6 =	sadd.s32 @!p0 $0x88, s6;
	s7 =	simm.s32 @p2 $0x1082  }
0x22: {  	[simem:s7], [sflag:s8] =	dma.local @!p0 [hbm:s6], $0xF7A  }
0x23: {  	s9 =	sor.u32 $0xD0000000, s2;
	s6 =	simm.s32 $0x108;
	_ =	swait.ge @!p0 [sflag:s8], $0x0  }
0x24: {  	s3 =	sadd.s32 $0x88, s3;
	s6 =	simm.s32 @!p1 $0x1082;
	[sflag:s4] =	ssyncset.s32 $0xFFFFF086  }
0x25: {  	[simem:s6], [sflag:s4] =	dma.local [hbm:s3], $0xF7A  }
0x26: {  	[smem:$0x3F8E] =	sst s1;
	(tag) =	ssettag s2;
	_ =	strace s9  }
0x27: {  	s1 =	sld [smem:$0x3F9E]  }
0x28: {  	s2 =	sld [smem:$0x3F9F]  }
0x29: {  	s4 =	sld [smem:$0x3FA1]  }
0x2a: {  	p0 =	seq.s32 s5, $0x0;
	s5 =	sld [smem:$0x3FA2]  }
0x2b: {  	s6 =	sld [smem:$0x3FA3]  }
0x2c: {  	s7 =	sld [smem:$0x3FA4]  }
0x2d: {  	s3 =	simm.s32 $0x108;
	s8 =	sld [smem:$0x3FA5]  }
0x2e: {  	s3 =	simm.s32 @!p0 $0x1082;
	s9 =	sld [smem:$0x3FA6]  }
0x2f: {  	lr =	sadd.s32 s0, s3;
	s0 =	sld [smem:$0x3F9D]  }
0x30: {  	s3 =	sld [smem:$0x3FA0]  }
0x31: {  	[smem:$0x3FA9] =	sst s10  }
0x32: {  	s10 =	sld [smem:$0x3FA7];
	_ =	sdelay $0x3  }
0x33: {  	p0 =	seq.s32 s10, $0x1;
	s10 =	sld [smem:$0x3FA9];
	_ =	sdelay $0x3  }
0x34: {  	[smem:$0x3FA9] =	sst s10  }
0x35: {  	s10 =	sld [smem:$0x3FA8];
	_ =	sdelay $0x3  }
0x36: {  	p1 =	seq.s32 s10, $0x1;
	s10 =	sld [smem:$0x3FA9];
	_ =	sdelay $0x3  }
0x37: {  	[smem:$0x3FA9] =	sst s10  }
0x38: {  	s10 =	sld [smem:$0x3FAA]  }
0x39: {  	_ = 	snop;
	(pc) =	sbr.ind lr, $3  }
0x3a: {  	_ = 	snop  }
0x3b: {  	_ = 	snop  }
0x3c: {  	p2 =	seq.s32 s10, $0x1;
	s10 =	sld [smem:$0x3FA9]  }
0x3d: {  	_ =	shalt  }
0x3e: {  	_ =	shalt  }
0x3f: {  	_ =	shalt  }
0x40: {  	_ =	shalt  }
0x41: {  	_ =	shalt  }
0x42: {  	_ =	shalt  }
0x43: {  	_ =	shalt  }
0x44: {  	_ =	shalt  }
0x45: {  	_ =	shalt  }
0x46: {  	_ =	shalt  }
0x47: {  	_ =	shalt  }
0x48: {  	_ =	shalt  }
0x49: {  	_ =	shalt  }
0x4a: {  	_ =	shalt  }
0x4b: {  	_ =	shalt  }
0x4c: {  	_ =	shalt  }
0x4d: {  	_ =	shalt  }
0x4e: {  	_ =	shalt  }
0x4f: {  	_ =	shalt  }
0x50: {  	_ =	shalt  }
0x51: {  	_ =	shalt  }
0x52: {  	_ =	shalt  }
0x53: {  	_ =	shalt  }
0x54: {  	_ =	shalt  }
0x55: {  	_ =	shalt  }
0x56: {  	_ =	shalt  }
0x57: {  	_ =	shalt  }
0x58: {  	_ =	shalt  }
0x59: {  	_ =	shalt  }
0x5a: {  	_ =	shalt  }
0x5b: {  	_ =	shalt  }
0x5c: {  	_ =	shalt  }
0x5d: {  	_ =	shalt  }
0x5e: {  	_ =	shalt  }
0x5f: {  	_ =	shalt  }
0x60: {  	_ =	shalt  }
0x61: {  	_ =	shalt  }
0x62: {  	_ =	shalt  }
0x63: {  	_ =	shalt  }
0x64: {  	_ =	shalt  }
0x65: {  	_ =	shalt  }
0x66: {  	_ =	shalt  }
0x67: {  	_ =	shalt  }
0x68: {  	_ =	shalt  }
0x69: {  	_ =	shalt  }
0x6a: {  	_ =	shalt  }
0x6b: {  	_ =	shalt  }
0x6c: {  	_ =	shalt  }
0x6d: {  	_ =	shalt  }
0x6e: {  	_ =	shalt  }
0x6f: {  	_ =	shalt  }
0x70: {  	_ =	shalt  }
0x71: {  	_ =	shalt  }
0x72: {  	_ =	shalt  }
0x73: {  	_ =	shalt  }
0x74: {  	_ =	shalt  }
0x75: {  	_ =	shalt  }
0x76: {  	_ =	shalt  }
0x77: {  	_ =	shalt  }
0x78: {  	_ =	shalt  }
0x79: {  	_ =	shalt  }
0x7a: {  	_ =	shalt  }
0x7b: {  	_ =	shalt  }
0x7c: {  	_ =	shalt  }
0x7d: {  	_ =	shalt  }
0x7e: {  	_ =	shalt  }
0x7f: {  	_ =	shalt  }
0x80: {  	_ =	shalt  }
0x81: {  	_ =	shalt  }
0x82: {  	_ =	shalt  }
0x83: {  	_ =	shalt  }
0x84: {  	_ =	shalt  }
0x85: {  	_ =	shalt  }
0x86: {  	_ =	shalt  }
0x87: {  	_ =	shalt  }
.Lfunc_end0:
.L_simem_size_0:
called_computation_lowered:
.L_overlay_start_0:
0x88: {  	s2 =	sld [smem:$0x3FD9]  }
0x89: {  	s3 =	sld [smem:$0x3FFE];
	_ =	sdelay $0x1  }
0x8a: {  	s1 =	srdreg.scid  }
0x8b: {  	s0 =	sand.u32 $0x1, s1  }
0x8c: {  	s14 =	sshll.u32 s0, $0xA;
	s2 =	sadd.s32 s3, s2  }
0x8d: {  	s2 =	sadd.s32 s2, s14  }
0x8e: {  	[smem:$0x3FB5] =	sst s2  }
0x8f: {  	_ = 	snop  }
0x90: {  	s2 =	sld [smem:$0x3FD0];
	_ =	sdelay $0x2  }
0x91: {  	s15 =	simm.s32 $0xA;
	s4 =	simm.s32 $0x10  }
0x92: {  	[smem:s4], [sflag:s15] =	dma.local [hbm:s2], $0x1  }
0x93: {  	_ =	swait.eq [sflag:s15], $0x1  }
0x94: {  	[sflag:s15] =	ssyncset.done $0x0  }
0x95: {  	s16 =	sld [smem:$0x10];
	[sflag:s15] =	ssyncadd.s32 $0xFFFFFFFF  }
0x96: {  	s17 =	sld [smem:$0x11];
	(tm) =	ssettm $0x1  }
0x97: {  	s18 =	sld [smem:$0x3FFB];
	_ =	sdelay $0x3  }
0x98: {  	_ =	strace s18  }
0x99: {  	s4 =	sld [smem:$0x3FFC];
	_ =	sdelay $0x3  }
0x9a: {  	_ =	strace s4  }
0x9b: {  	s4 =	sld [smem:$0x3FFD];
	_ =	sdelay $0x3  }
0x9c: {  	_ =	strace s4  }
0x9d: {  	_ =	strace $0x8FFFFFFF  }
0x9e: {  	s19 =	sld [smem:$0x3FDB];
	_ =	sdelay $0x1  }
0x9f: {  	s5 =	simm.s32 $_scs_section_size  }
0xa0: {  	s6 =	simm.s32 $_size__tile_overlayer_lowered;
	s7 =	simm.s32 $_tile_overlayer_lowered  }
0xa1: {  	s22 =	simm.s32 $0x1BFF;
	s21 =	sshll.u32 s7, $0x1;
	s4 =	sadd.s32 s5, s19  }
0xa2: {  	s8 =	simm.s32 $0x0;
	s20 =	sshll.u32 s6, $0x1;
	s6 =	sadd.s32 s21, s4  }
0xa3: {  	[timem:s8], [sflag:s22] =	dma.local [hbm:s6], s20  }
0xa4: {  	_ =	swait.ge [sflag:s22], s20  }
0xa5: {  	s5 =	ssub.s32 $0x0, s20;
	[sflag:s22] =	ssyncset.done $0x0  }
0xa6: {  	[sflag:s22] =	ssyncadd.s32 s5;
	_ =	sdelay $0x1  }
0xa7: {  	s23 =	simm.s32 $0x1B8B  }
0xa8: {  	_ =	swait.ge [sflag:s23], $0x1  }
0xa9: {  	[sflag:s23] =	ssyncset.done $0x0  }
0xaa: {  	s25 =	simm.s32 $0x1B8E;
	s24 =	sld [smem:$0x3FFE];
	[sflag:s23] =	ssyncadd.s32 $0xFFFFFFFF  }
0xab: {  	s26 =	simm.s32 $execute0_lowered;
	[smem:$0x3FD2] =	sst s25  }
0xac: {  	s6 =	sshll.u32 s26, $0x1;
	_ =	strace $0x80000046;
	[dreg:$0x1] =	wrdreg $0xFFFFFFFF  }
0xad: {  	s28 =	simm.s32 $_size_execute0_lowered;
	s4 =	sadd.s32 s4, s6;
	[dreg:$0x0] =	wrdreg $0x0  }
0xae: {  	s6 =	sshll.u32 s28, $0x1;
	[dreg:$0x2] =	wrdreg s4  }
0xaf: {  	[dreg:$0x3] =	wrdreg s6  }
0xb0: {  	[dreg:$0x4] =	wrdreg $0xC0  }
0xb1: {  	_ =	task [dreg:s8], $0x5FFFF  }
0xb2: {  	[dreg:$0x1] =	wrdreg $0xFFFFFFFF  }
0xb3: {  	[dreg:$0x0] =	wrdreg $0x60  }
0xb4: {  	[dreg:$0x2] =	wrdreg s16  }
0xb5: {  	[dreg:$0x3] =	wrdreg s17  }
0xb6: {  	[dreg:$0x4] =	wrdreg s24  }
0xb7: {  	[dreg:$0x5] =	wrdreg $0x9  }
0xb8: {  	_ =	task.clear_ibuf [dreg:s8], $0x6FFFF;
	_ =	strace $0x90000046  }
0xb9: {  	s29 =	simm.s32 $0x9;
	_ =	strace $0x80000048  }
0xba: {  	_ =	swait.ge [sflag:s29], $0x1  }
0xbb: {  	[sflag:s29] =	ssyncadd.s32 $0xFFFFFFFF  }
0xbc: {  	_ =	strace $0x90000048  }
0xbd: {  	_ =	sfence  }
0xbe: {  	s30 =	sld [smem:$0x0];
	_ =	sdelay $0x2  }
0xbf: {  	s31 =	sshll.u32 s1, $0xD;
	s1 =	sshrl.u32 s1, $0x2  }
0xc0: {  	s3 =	sand.u32 $0x4000, s31;
	s1 =	sadd.s32 s1, s30  }
0xc1: {  	s0 =	sor.u32 s3, s0;
	s1 =	sshll.u32 s1, $0x11  }
0xc2: {  	s0 =	sor.u32 s1, s0  }
0xc3: {  	s0 =	sadd.s32 $0x8F2B, s0  }
0xc4: {  	[sflag:s0] =	ssyncadd.remote.s32 $0x1  }
0xc5: {  	_ =	sfence.sel $0xFFFF  }
0xc6: {  	[dreg:$0x0] =	wrdreg $0xFFFFFFFF;
	(pc) =	sbr.abs _section_cstart, $3  }
0xc7: {  	[dreg:$0x1] =	wrdreg $0xFFFFFFFF  }
0xc8: {  	_ =	task.clear_ibuf [dreg:s8], $0x2FFFF;
	_ =	strace $0x9FFFFFFF  }
0xc9: {  	(tm) =	ssettm $0x7FFFFFFF  }
tec
execute0_lowered:
.L_overlay_start_1:
0x0: {  	(tag) =	ssettag $0x1  }
0x1: {  	s1 =	rddreg [dreg:$0x0];
	s2 =	srdreg.scid  }
0x2: {  	s0 =	stileid.u32;
	s3 =	rddreg [dreg:$0x1]  }
0x3: {  	s7 =	rddreg [dreg:$0x2];
	s4 =	simm.s32 $0x0;
	s11 =	simm.s32 $0x2780  }
0x4: {  	s12 =	simm.s32 $0xC8;
	s13 =	simm.s32 $0x4F00;
	s14 =	simm.s32 $0x11700  }
0x5: {  	s15 =	simm.s32 $0xB300;
	s16 =	simm.s32 $0x17B00;
	s17 =	simm.s32 $0x1  }
0x6: {  	s18 =	simm.s32 $0x2;
	s6 =	sand.u32 $0x1, s2;
	s30 =	sshll.u32 s0, $0x1  }
0x7: {  	s19 =	simm.s32 $0x3;
	s20 =	simm.s32 $0x4;
	s5 =	sor.u32 s6, s30  }
0x8: {  	s2 =	rddreg [dreg:$0x3];
	s8 =	ssub.s32 $0x2, s6;
	s5 =	smul.u32 $0x2710, s5  }
0x9: {  	s21 =	simm.s32 $0x0;
	[smem:$0x7FF] =	sst s4;
	s9 =	sshrl.u32 s8, $0x1  }
0xa: {  	_ =	strace $0x80000047;
	s9 =	ssub.s32 s8, s9;
	s31 =	sshrl.u32 s5, $0x3  }
0xb: {  	s6 =	sadd.s32 $0x16A00, s7;
	s9 =	smax.u32 s9, $0x1;
	s10 =	sadd.s32 s31, s7  }
0xc: {  	s7 =	sadd.s32 $0x2E00, s10;
	s8 =	sadd.s32 $0xCC00, s10;
	s10 =	simm.s32 $0x5  }
.LBB2_1:
0xd: {  	[tilespmem:s4], [sflag:$0x5] =	stream.linear.gather [hbm4b:s7+s4], $0x2710, $0x38;
	[tilespmem:$0x1DF00] =	vst v63  }
0xe: {  	_ =	swait.ge [sflag:s10], $0x2710  }
0xf: {  	[sflag:s10] =	ssyncset.done $0x0  }
0x10: {  	[sflag:s10] =	ssyncadd.s32 $0xFFFFD8F0  }
0x11: {  	[tilespmem:s11], [sflag:$0x5] =	stream.linear.gather [hbm4b:s8+s4], $0x2710, $0x38;
	[tilespmem:$0x1DF00] =	vst v63  }
0x12: {  	_ =	swait.ge [sflag:s10], $0x2710  }
0x13: {  	[sflag:s10] =	ssyncset.done $0x0  }
0x14: {  	[sflag:s10] =	ssyncadd.s32 $0xFFFFD8F0  }
0x15: {  	[tilespmem:s13], [sflag:$0x1] =	stream.indirect.gather [hbm4b:s1+s12], $0x80, s4, s12, $0xb8;
	[tilespmem:$0x1DF00] =	vst v63  }
0x16: {  	s22 =	simm.s32 $0x0  }
0x17: {  	[tilespmem:s14], [sflag:$0x1] =	stream.indirect.gather [hbm4b:s3+s12], $0x80, s11, s12, $0xb8;
	[tilespmem:$0x1DF00] =	vst v63  }
.LBB2_2:
0x18: {  	p0 =	seq.s32 s22, $0x0  }
0x19: {  	s23 =	simm.s32 @!p0 $0x4  }
0x1a: {  	s24 =	smul.u32 $0x190, s22;
	_ =	swait.ge @!p0 [sflag:s23], $0x6400  }
0x1b: {  	[sflag:s23] =	ssyncset.done @!p0 $0x0  }
0x1c: {  	[sflag:s23] =	ssyncadd.s32 @!p0 $0xFFFF9C00;
	s23 =	sadd.s32 $0xC8, s24  }
0x1d: {  	[tilespmem:s15], [sflag:$0x2] =	stream.indirect.gather [hbm4b:s1+s12], $0x80, s23, s12, $0xb8;
	[tilespmem:$0x1DF00] =	vst v63  }
0x1e: {  	s25 =	sadd.s32 $0x2848, s24  }
0x1f: {  	[tilespmem:s16], [sflag:$0x2] =	stream.indirect.gather [hbm4b:s3+s12], $0x80, s25, s12, $0xb8;
	[tilespmem:$0x1DF00] =	vst v63  }
0x20: {  	_ =	swait.ge [sflag:s17], $0x6400  }
0x21: {  	[sflag:s17] =	ssyncset.done $0x0  }
0x22: {  	[sflag:s17] =	ssyncadd.s32 $0xFFFF9C00  }
0x23: {  	_ =	swait.ge [sflag:s17], $0x6400  }
0x24: {  	[sflag:s17] =	ssyncset.done $0x0  }
0x25: {  	s25 =	simm.s32 $0x0;
	[sflag:s17] =	ssyncadd.s32 $0xFFFF9C00  }
0x26: {  	v7 =	vld [tilespmem:s25+$0x11700]  }
0x27: {  	v11 =	vld [tilespmem:s25+$0x11710]  }
0x28: {  	v5 =	vld [tilespmem:s25+$0x11720]  }
0x29: {  	v4 =	vld [tilespmem:s25+$0x11730]  }
0x2a: {  	v3 =	vld [tilespmem:s25+$0x11740]  }
0x2b: {  	v2 =	vld [tilespmem:s25+$0x11750]  }
0x2c: {  	v1 =	vld [tilespmem:s25+$0x11760]  }
0x2d: {  	v0 =	vld [tilespmem:s25+$0x11770]  }
0x2e: {  	v12 =	vld [tilespmem:s25+$0x4F00]  }
0x2f: {  	v13 =	vld [tilespmem:s25+$0x4F10]  }
0x30: {  	v10 =	vld [tilespmem:s25+$0x4F20]  }
0x31: {  	v9 =	vld [tilespmem:s25+$0x4F30]  }
0x32: {  	v8 =	vld [tilespmem:s25+$0x4F40]  }
0x33: {  	v6 =	vld [tilespmem:s25+$0x4F50];
	v12 =	vadd.f32 v7, v12  }
0x34: {  	s26 =	simm.s32 $0x200;
	v11 =	vadd.f32 v11, v13;
	v7 =	vld [tilespmem:s25+$0x4F60]  }
.LBB2_3:
0x35: {  	s28 =	sshra.s32 s26, $0x2;
	p0 =	sne.s32 s26, $0x18E00;
	[tilespmem:s25+$0x4F00] =	vst v12;
	v5 =	vadd.f32 v5, v10;
	v10 =	vld [tilespmem:s25+$0x4F70]  }
0x36: {  	v12 =	vld [tilespmem:s28+$0x11700];
	[tilespmem:s25+$0x4F10] =	vst v11;
	v4 =	vadd.f32 v4, v9  }
0x37: {  	v11 =	vld [tilespmem:s28+$0x11710];
	[tilespmem:s25+$0x4F20] =	vst v5;
	v3 =	vadd.f32 v3, v8  }
0x38: {  	v5 =	vld [tilespmem:s28+$0x11720];
	[tilespmem:s25+$0x4F30] =	vst v4;
	v2 =	vadd.f32 v2, v6  }
0x39: {  	v4 =	vld [tilespmem:s28+$0x11730];
	[tilespmem:s25+$0x4F40] =	vst v3;
	v1 =	vadd.f32 v1, v7  }
0x3a: {  	v3 =	vld [tilespmem:s28+$0x11740];
	[tilespmem:s25+$0x4F50] =	vst v2;
	v0 =	vadd.f32 v0, v10  }
0x3b: {  	v2 =	vld [tilespmem:s28+$0x11750];
	[tilespmem:s25+$0x4F60] =	vst v1  }
0x3c: {  	v1 =	vld [tilespmem:s28+$0x11760];
	[tilespmem:s25+$0x4F70] =	vst v0;
	s25 =	smov.u32 s28  }
0x3d: {  	v0 =	vld [tilespmem:s25+$0x11770]  }
0x3e: {  	v6 =	vld [tilespmem:s25+$0x4F00]  }
0x3f: {  	v7 =	vld [tilespmem:s25+$0x4F10]  }
.Ltmp0:
0x40: {  	v10 =	vld [tilespmem:s25+$0x4F20];
	(pc) =	sbr.rel @p0 .LBB2_3-.Ltmp0, $4  }
0x41: {  	v9 =	vld [tilespmem:s25+$0x4F30]  }
0x42: {  	v8 =	vld [tilespmem:s25+$0x4F40]  }
0x43: {  	v12 =	vadd.f32 v12, v6;
	v6 =	vld [tilespmem:s25+$0x4F50]  }
0x44: {  	s26 =	sadd.s32 $0x200, s26;
	v11 =	vadd.f32 v11, v7;
	v7 =	vld [tilespmem:s25+$0x4F60]  }
0x45: {  	[tilespmem:s25+$0x4F00] =	vst v12;
	v5 =	vadd.f32 v5, v10;
	v10 =	vld [tilespmem:s25+$0x4F70]  }
0x46: {  	[tilespmem:s25+$0x4F10] =	vst v11;
	v4 =	vadd.f32 v4, v9  }
0x47: {  	[tilespmem:s25+$0x4F20] =	vst v5;
	v3 =	vadd.f32 v3, v8  }
0x48: {  	[tilespmem:s25+$0x4F30] =	vst v4;
	v2 =	vadd.f32 v2, v6  }
0x49: {  	[tilespmem:s25+$0x4F40] =	vst v3;
	v1 =	vadd.f32 v1, v7  }
0x4a: {  	s26 =	sadd.s32 s5, s24;
	[tilespmem:s25+$0x4F50] =	vst v2;
	v0 =	vadd.f32 v0, v10  }
0x4b: {  	p0 =	seq.s32 s22, $0x18;
	s26 =	sshll.u32 s26, $0x4;
	[tilespmem:s25+$0x4F60] =	vst v1  }
0x4c: {  	s31 =	sadd.s32 s6, s26;
	[tilespmem:s25+$0x4F70] =	vst v0;
	s25 =	simm.s32 @!p0 $0x3  }
0x4d: {  	[hbm4b:s31+s4] =	stream.linear.scatter [tilespmem:s13], [sflag:$0x3], $0x6400, $0x38;
	[tilespmem:$0x1DF00] =	vst v63  }
0x4e: {  	_ =	swait.ge @!p0 [sflag:s25], $0x6400  }
0x4f: {  	s28 =	simm.s32 @!p0 $0x4F00;
	[sflag:s25] =	ssyncset.done @!p0 $0x0  }
0x50: {  	s26 =	simm.s32 @!p0 $0xC8;
	[sflag:s25] =	ssyncadd.s32 @!p0 $0xFFFF9C00;
	s25 =	sadd.s32 @!p0 $0x190, s24  }
0x51: {  	[tilespmem:s28], [sflag:$0x1] =	stream.indirect.gather @!p0 [hbm4b:s1+s26], $0x80, s25, s26, $0xb8;
	[tilespmem:$0x1DF00] =	vst v63  }
0x52: {  	s24 =	sadd.s32 @!p0 $0x2910, s24;
	s25 =	simm.s32 @!p0 $0x11700  }
0x53: {  	[tilespmem:s25], [sflag:$0x1] =	stream.indirect.gather @!p0 [hbm4b:s3+s26], $0x80, s24, s26, $0xb8;
	[tilespmem:$0x1DF00] =	vst v63  }
0x54: {  	_ =	swait.ge [sflag:s18], $0x6400  }
0x55: {  	[sflag:s18] =	ssyncset.done $0x0  }
0x56: {  	[sflag:s18] =	ssyncadd.s32 $0xFFFF9C00  }
0x57: {  	_ =	swait.ge [sflag:s18], $0x6400  }
0x58: {  	[sflag:s18] =	ssyncset.done $0x0  }
0x59: {  	s24 =	simm.s32 $0x0;
	[sflag:s18] =	ssyncadd.s32 $0xFFFF9C00  }
0x5a: {  	v7 =	vld [tilespmem:s24+$0x17B00]  }
0x5b: {  	v11 =	vld [tilespmem:s24+$0x17B10]  }
0x5c: {  	v5 =	vld [tilespmem:s24+$0x17B20]  }
0x5d: {  	v4 =	vld [tilespmem:s24+$0x17B30]  }
0x5e: {  	v3 =	vld [tilespmem:s24+$0x17B40]  }
0x5f: {  	v2 =	vld [tilespmem:s24+$0x17B50]  }
0x60: {  	v1 =	vld [tilespmem:s24+$0x17B60]  }
0x61: {  	v0 =	vld [tilespmem:s24+$0x17B70]  }
0x62: {  	v12 =	vld [tilespmem:s24+$0xB300]  }
0x63: {  	v13 =	vld [tilespmem:s24+$0xB310]  }
0x64: {  	v10 =	vld [tilespmem:s24+$0xB320]  }
0x65: {  	v9 =	vld [tilespmem:s24+$0xB330]  }
0x66: {  	v8 =	vld [tilespmem:s24+$0xB340]  }
0x67: {  	v6 =	vld [tilespmem:s24+$0xB350];
	v12 =	vadd.f32 v7, v12  }
0x68: {  	s25 =	simm.s32 $0x200;
	v11 =	vadd.f32 v11, v13;
	v7 =	vld [tilespmem:s24+$0xB360]  }
.LBB2_5:
0x69: {  	s26 =	sshra.s32 s25, $0x2;
	p0 =	sne.s32 s25, $0x18E00;
	[tilespmem:s24+$0xB300] =	vst v12;
	v5 =	vadd.f32 v5, v10;
	v10 =	vld [tilespmem:s24+$0xB370]  }
0x6a: {  	v12 =	vld [tilespmem:s26+$0x17B00];
	[tilespmem:s24+$0xB310] =	vst v11;
	v4 =	vadd.f32 v4, v9  }
0x6b: {  	v11 =	vld [tilespmem:s26+$0x17B10];
	[tilespmem:s24+$0xB320] =	vst v5;
	v3 =	vadd.f32 v3, v8  }
0x6c: {  	v5 =	vld [tilespmem:s26+$0x17B20];
	[tilespmem:s24+$0xB330] =	vst v4;
	v2 =	vadd.f32 v2, v6  }
0x6d: {  	v4 =	vld [tilespmem:s26+$0x17B30];
	[tilespmem:s24+$0xB340] =	vst v3;
	v1 =	vadd.f32 v1, v7  }
0x6e: {  	v3 =	vld [tilespmem:s26+$0x17B40];
	[tilespmem:s24+$0xB350] =	vst v2;
	v0 =	vadd.f32 v0, v10  }
0x6f: {  	v2 =	vld [tilespmem:s26+$0x17B50];
	[tilespmem:s24+$0xB360] =	vst v1  }
0x70: {  	v1 =	vld [tilespmem:s26+$0x17B60];
	[tilespmem:s24+$0xB370] =	vst v0;
	s24 =	smov.u32 s26  }
0x71: {  	v0 =	vld [tilespmem:s24+$0x17B70]  }
0x72: {  	v6 =	vld [tilespmem:s24+$0xB300]  }
0x73: {  	v7 =	vld [tilespmem:s24+$0xB310]  }
.Ltmp1:
0x74: {  	v10 =	vld [tilespmem:s24+$0xB320];
	(pc) =	sbr.rel @p0 .LBB2_5-.Ltmp1, $4  }
0x75: {  	v9 =	vld [tilespmem:s24+$0xB330]  }
0x76: {  	v8 =	vld [tilespmem:s24+$0xB340]  }
0x77: {  	v12 =	vadd.f32 v12, v6;
	v6 =	vld [tilespmem:s24+$0xB350]  }
0x78: {  	s25 =	sadd.s32 $0x200, s25;
	v11 =	vadd.f32 v11, v7;
	v7 =	vld [tilespmem:s24+$0xB360]  }
0x79: {  	[tilespmem:s24+$0xB300] =	vst v12;
	v5 =	vadd.f32 v5, v10;
	v63 =	vld [tilespmem:s24+$0xB370]  }
0x7a: {  	[tilespmem:s24+$0xB310] =	vst v11;
	v4 =	vadd.f32 v4, v9  }
0x7b: {  	s22 =	sadd.s32 $0x1, s22;
	[tilespmem:s24+$0xB320] =	vst v5;
	v3 =	vadd.f32 v3, v8  }
0x7c: {  	p0 =	sne.s32 s22, $0x19;
	[tilespmem:s24+$0xB330] =	vst v4;
	v2 =	vadd.f32 v2, v6  }
.Ltmp2:
0x7d: {  	[tilespmem:s24+$0xB340] =	vst v3;
	v1 =	vadd.f32 v1, v7;
	(pc) =	sbr.rel @p0 .LBB2_2-.Ltmp2, $4  }
0x7e: {  	s23 =	sadd.s32 s5, s23;
	[tilespmem:s24+$0xB350] =	vst v2;
	v0 =	vadd.f32 v0, v63  }
0x7f: {  	s23 =	sshll.u32 s23, $0x4;
	[tilespmem:s24+$0xB360] =	vst v1  }
0x80: {  	s23 =	sadd.s32 s6, s23;
	[tilespmem:s24+$0xB370] =	vst v0  }
0x81: {  	[hbm4b:s23+s4] =	stream.linear.scatter [tilespmem:s15], [sflag:$0x4], $0x6400, $0x38;
	[tilespmem:$0x1DF00] =	vst v63  }
0x82: {  	s21 =	sadd.s32 $0x1, s21  }
0x83: {  	_ =	swait.ge [sflag:s19], $0x6400;
	p0 =	sne.s32 s21, s9  }
.Ltmp3:
0x84: {  	[sflag:s19] =	ssyncset.done $0x0;
	(pc) =	sbr.rel @p0 .LBB2_1-.Ltmp3, $4  }
0x85: {  	[sflag:s19] =	ssyncadd.s32 $0xFFFF9C00  }
0x86: {  	_ =	swait.ge [sflag:s20], $0x6400  }
0x87: {  	[sflag:s20] =	ssyncset.done $0x0  }
0x88: {  	[sflag:s20] =	ssyncadd.s32 $0xFFFF9C00  }
0x89: {  	_ =	sfence.sel $0x180000  }
0x8a: {  	[bflag:$0x0] =	sbarrier.arrive $0xFFFF  }
0x8b: {  	p0 =	sne.s32 s0, $0x0;
	_ =	strace $0x90000047  }
0x8c: {  	s0 =	sadd.s32 @!p0 $0x100000, s2;
	[bflag:$0x2] =	sbarrier.arrive $0xFFFF  }
0x8d: {  	[sflag:s0] =	ssyncadd.tile.s32 @!p0 $0x1;
	_ =	shalt  }
.Lfunc_end2:
_tile_overlayer_lowered:
.L_overlay_start_2:
0x8e: {  	(tag) =	ssettag $0x2  }
0x8f: {  	s0 =	rddreg [dreg:$0x0];
	s2 =	stileid.u32  }
0x90: {  	s1 =	rddreg [dreg:$0x1];
	p0 =	sne.s32 s2, $0x0  }
0x91: {  	s3 =	rddreg [dreg:$0x2];
	[bflag:$0x3] =	sbarrier.arrive $0xFFFF;
	s2 =	simm.s32 @!p0 $0x1C05  }
0x92: {  	[timem:s3], [sflag:s2] =	dma.local @!p0 [hbm:s0], s1  }
0x93: {  	s0 =	simm.s32 @!p0 $0x5  }
0x94: {  	_ =	swait.ge @!p0 [sflag:s0], s1  }
0x95: {  	s1 =	ssub.s32 @!p0 $0x0, s1;
	[sflag:s0] =	ssyncset.done @!p0 $0x0  }
0x96: {  	[sflag:s0] =	ssyncadd.s32 @!p0 s1  }
0x97: {  	[bflag:$0x3] =	sbarrier.arrive $0xFFFF  }
0x98: {  	_ =	shalt  }

</sc_bundles>
